<compile_context>
chip_gen: v7x
topology: tpu7x:2x2x1
jax: 0.10.2.dev20260603
libtpu: 0.0.44.dev20260713+nightly
codegen_flags: <defaults>
</compile_context>

<pallas_src>
import functools

import jax
import jax.numpy as jnp
from jax import lax
from jax.experimental import pallas as pl
from jax.experimental.pallas import tpu as pltpu
from jax.experimental.pallas import tpu_sc as plsc

BS, SEQ, D, NS, BMAX = 4, 4096, 768, 64, 256
W = 2 * BMAX
L = 16
NCORE, NSUB = 2, 16
BPC = BS // NCORE
BLK = NSUB // BPC
CW = D // BLK
NACC = CW // L
SHIFT = 8

_mesh = plsc.VectorSubcoreMesh(core_axis_name="c", subcore_axis_name="s")


@functools.partial(
    pl.kernel,
    mesh=_mesh,
    out_type=jax.ShapeDtypeStruct((BS * NS, D), jnp.float32),
    scratch_types=(
        pltpu.VMEM((W, CW), jnp.float32),
        pltpu.VMEM((W, CW), jnp.float32),
        pltpu.VMEM((SHIFT + 2 * NS,), jnp.int32),
        pltpu.VMEM((SHIFT + 2 * NS,), jnp.float32),
        pltpu.VMEM((NS, CW), jnp.float32),
        (pltpu.SemaphoreType.DMA,) * 2,
    ),
    compiler_params=pltpu.CompilerParams(
        use_tc_tiling_on_sc=False, needs_layout_passes=False
    ),
)
def _sc_span_mean(x_hbm, se_hbm, out_hbm, xb, pb, sei, invb, res_v, sems):
    cid = lax.axis_index("c")
    sid = lax.axis_index("s")
    lane = lax.iota(jnp.int32, 16)

    b_loc = sid // BLK
    col0 = (sid % BLK) * CW
    b = cid * BPC + b_loc

    cp_se = pltpu.async_copy(
        se_hbm.at[pl.ds(b * 2 * NS, 2 * NS)], sei.at[pl.ds(SHIFT, 2 * NS)], sems[0]
    )
    cp_x = pltpu.async_copy(
        x_hbm.at[b, pl.ds(0, W), pl.ds(col0, CW)], xb, sems[1]
    )
    cp_se.wait()

    pair = 2 * (lane >> 1)
    for g in range(2 * NS // L):
        base = SHIFT + g * L
        lo_all = plsc.load_gather(sei, [base + pair])
        hi_all = plsc.load_gather(sei, [base + pair + 1])
        invb[pl.ds(base, L)] = 1.0 / (hi_all - lo_all).astype(jnp.float32)

    cp_x.wait()

    zero = jnp.zeros((L,), jnp.float32)

    @plsc.parallel_loop(0, W, unroll=8, carry=(zero,) * NACC)
    def _scan(i, accs):
        row = jnp.full((16,), i, jnp.int32)
        cur = []
        for k in range(NACC):
            col = k * L + lane
            x = plsc.load_gather(xb, [row, col])
            plsc.store_scatter(pb, [row, col], accs[k])
            cur.append(accs[k] + x)
        return tuple(cur)

    @plsc.parallel_loop(0, NS, unroll=4)
    def _spans(s):
        lo = plsc.load_gather(sei, [jnp.full((16,), SHIFT + 2 * s, jnp.int32)])
        hi = plsc.load_gather(sei, [jnp.full((16,), SHIFT + 2 * s + 1, jnp.int32)])
        inv = plsc.load_gather(invb, [jnp.full((16,), SHIFT + 2 * s, jnp.int32)])
        row_res = jnp.full((16,), s, jnp.int32)
        for c in range(NACC):
            col = c * L + lane
            dlt = plsc.load_gather(pb, [hi, col]) - plsc.load_gather(pb, [lo, col])
            plsc.store_scatter(res_v, [row_res, col], dlt * inv)

    pltpu.sync_copy(res_v, out_hbm.at[pl.ds(b * NS, NS), pl.ds(col0, CW)])


def kernel(bert_output, mention_bounds):
    mb = mention_bounds.astype(jnp.int32)
    se = jnp.stack([mb[..., 0], mb[..., 1] + 1], axis=-1).reshape(-1)
    embeds = _sc_span_mean(bert_output, se)
    return embeds.reshape(BS, NS, D)

# --- scband reference (transcript-rebuilt; emitter-appended) ---
"""Pipeline reference for scband-get-context-embeds-head-36490042146983 (READ-ONLY COPY).

The authoritative reference and input builder live on the scoring server;
editing this copy changes nothing except your own understanding.
"""

import jax, jax.numpy as jnp
import numpy as np

BS, SEQ, D, NS, BMAX = 4, 4096, 768, 64, 256


def setup_inputs(seed: int = 0) -> dict:
    key = jax.random.key(seed)
    k1, k2 = jax.random.split(key)
    bert_output = jax.random.normal(k1, (BS, SEQ, D), dtype=jnp.float32)
    # sorted along last axis -> start <= end (both inclusive), values in [0, BMAX)
    mention_bounds = jnp.sort(jax.random.randint(k2, (BS, NS, 2), 0, BMAX), axis=-1)
    return {"bert_output": bert_output, "mention_bounds": mention_bounds}


def reference(bert_output, mention_bounds):
    # GetContextEmbedsHead with mention_aggregation_type='all_avg':
    # batched_span_select (gather all tokens in each [start, end] span, inclusive),
    # zero out invalid positions, then masked average over the span -> segment mean.
    starts = mention_bounds[..., 0]
    ends = mention_bounds[..., 1]
    widths = ends - starts  # inclusive bounds -> width+1 tokens
    max_w = BMAX  # static upper bound: bounds in [0, BMAX) -> width+1 <= BMAX
    rng = jnp.arange(max_w).reshape(1, 1, -1)  # (1, 1, W)
    span_mask = rng <= widths[..., None]  # (BS, NS, W)
    raw_idx = starts[..., None] + rng  # (BS, NS, W)
    span_mask = span_mask & (raw_idx < bert_output.shape[1])
    idx = raw_idx * span_mask  # masked positions -> index 0 (safe)
    bs = bert_output.shape[0]
    flat_idx = idx.reshape(bs, -1)  # (BS, NS*W)
    gathered = jnp.take_along_axis(bert_output, flat_idx[..., None], axis=1)
    gathered = gathered.reshape(bs, idx.shape[1], idx.shape[2], bert_output.shape[2])  # (BS, NS, W, D)
    gathered = jnp.where(span_mask[..., None], gathered, 0.0)  # embedding_ctxt[~mask] = 0
    counts = span_mask.sum(axis=2).astype(jnp.float32)[..., None]  # (BS, NS, 1), always >= 1
    embedding_ctxt = gathered.sum(axis=2) / counts  # (BS, NS, D)
    return embedding_ctxt

if __name__ == "__main__":
    import jax
    _d = setup_inputs()
    print(jax.jit(kernel)(*tuple(_d.values())))

</pallas_src>

<mosaic_0001>
#map = affine_map<(d0, d1) -> (0, 0, 0)>
#map1 = affine_map<(d0, d1) -> (0)>
#map2 = affine_map<(d0, d1) -> (0, 0)>
module attributes {stable_mosaic.version = 14 : i64} {
  func.func @_sc_span_mean(%arg0: i32, %arg1: i32, %arg2: memref<4x4096x768xf32, #tpu.memory_space<hbm>>, %arg3: memref<512xi32, #tpu.memory_space<hbm>>, %arg4: memref<256x768xf32, #tpu.memory_space<hbm>>, %arg5: memref<512x96xf32, #tpu.memory_space<vmem>>, %arg6: memref<512x96xf32, #tpu.memory_space<vmem>>, %arg7: memref<136xi32, #tpu.memory_space<vmem>>, %arg8: memref<136xf32, #tpu.memory_space<vmem>>, %arg9: memref<64x96xf32, #tpu.memory_space<vmem>>, %arg10: memref<!tpu.dma_semaphore, #tpu.memory_space<semaphore_mem>>, %arg11: memref<!tpu.dma_semaphore, #tpu.memory_space<semaphore_mem>>) attributes {dimension_semantics = [#tpu.dimension_semantics<core_parallel>, #tpu.dimension_semantics<subcore_parallel>], iteration_bounds = array<i64: 2, 16>, scalar_prefetch = 0 : i64, scratch_operands = 7 : i64, tpu.core_type = #tpu.core_type<sc_vector_subcore>, window_params = [{transform_indices = #map}, {transform_indices = #map1}, {transform_indices = #map2}]} {
    %iota3A = tpu.iota {dimensions = array<i32: 0>} : vector<16xi32>
    %jit3A = arith.constant 8 : i32
    %div3A = arith.divsi %arg1, %jit3A : i32
    %sign3A = arith.constant 0 : i32
    %sign3A_0 = arith.cmpi sgt, %arg1, %sign3A : i32
    %sign3A_1 = arith.extui %sign3A_0 : i1 to i32
    %sign3A_2 = arith.constant 0 : i32
    %sign3A_3 = arith.cmpi slt, %arg1, %sign3A_2 : i32
    %sign3A_4 = arith.extui %sign3A_3 : i1 to i32
    %sign3A_5 = arith.subi %sign3A_1, %sign3A_4 : i32
    %sign3A_6 = arith.constant 0 : i32
    %sign3A_7 = arith.cmpi sgt, %jit3A, %sign3A_6 : i32
    %sign3A_8 = arith.extui %sign3A_7 : i1 to i32
    %sign3A_9 = arith.constant 0 : i32
    %sign3A_10 = arith.cmpi slt, %jit3A, %sign3A_9 : i32
    %sign3A_11 = arith.extui %sign3A_10 : i1 to i32
    %sign3A_12 = arith.subi %sign3A_8, %sign3A_11 : i32
    %ne3A = arith.cmpi ne, %sign3A_5, %sign3A_12 : i32
    %rem3A = arith.remsi %arg1, %jit3A : i32
    %ne3A_13 = arith.constant 0 : i32
    %ne3A_14 = arith.cmpi ne, %rem3A, %ne3A_13 : i32
    %and3A = arith.andi %ne3A, %ne3A_14 : i1
    %sub3A = arith.constant 1 : i32
    %sub3A_15 = arith.subi %div3A, %sub3A : i32
    %select_n3A = arith.select %and3A, %sub3A_15, %div3A : i32
    %jit3A_16 = arith.constant 8 : i32
    %eq3A = arith.constant 0 : i32
    %eq3A_17 = arith.cmpi eq, %jit3A_16, %eq3A : i32
    %jit3A_18 = arith.constant 1 : i32
    %select_n3A_19 = arith.select %eq3A_17, %jit3A_18, %jit3A_16 : i32
    %rem3A_20 = arith.remsi %arg1, %select_n3A_19 : i32
    %ne3A_21 = arith.constant 0 : i32
    %ne3A_22 = arith.cmpi ne, %rem3A_20, %ne3A_21 : i32
    %lt3A = arith.constant 0 : i32
    %lt3A_23 = arith.cmpi slt, %rem3A_20, %lt3A : i32
    %lt3A_24 = arith.constant 0 : i32
    %lt3A_25 = arith.cmpi slt, %select_n3A_19, %lt3A_24 : i32
    %ne3A_26 = arith.xori %lt3A_23, %lt3A_25 : i1
    %and3A_27 = arith.andi %ne3A_26, %ne3A_22 : i1
    %add3A = arith.addi %rem3A_20, %select_n3A_19 : i32
    %select_n3A_28 = arith.select %and3A_27, %add3A, %rem3A_20 : i32
    %mul3A = arith.constant 96 : i32
    %mul3A_29 = arith.muli %select_n3A_28, %mul3A : i32
    %mul3A_30 = arith.constant 2 : i32
    %mul3A_31 = arith.muli %arg0, %mul3A_30 : i32
    %add3A_32 = arith.addi %mul3A_31, %select_n3A : i32
    %mul3A_33 = arith.constant 2 : i32
    %mul3A_34 = arith.muli %add3A_32, %mul3A_33 : i32
    %mul3A_35 = arith.constant 64 : i32
    %mul3A_36 = arith.muli %mul3A_34, %mul3A_35 : i32
    %dma_start3A = arith.constant 8 : i32
    %dma_start3A_37 = tpu.memref_slice %arg7[%dma_start3A] : memref<136xi32, #tpu.memory_space<vmem>> -> memref<128xi32, #tpu.memory_space<vmem>>
    %dma_start3A_38 = tpu.memref_slice %arg3[%mul3A_36] : memref<512xi32, #tpu.memory_space<hbm>> -> memref<128xi32, #tpu.memory_space<hbm>>
    %dma_start3A_39 = arith.constant 8 : i32
    %dma_start3A_40 = tpu.memref_slice %arg7[%dma_start3A_39] : memref<136xi32, #tpu.memory_space<vmem>> -> memref<128xi32, #tpu.memory_space<vmem>>
    %dma_start3A_41 = tpu.memref_slice %arg3[%mul3A_36] : memref<512xi32, #tpu.memory_space<hbm>> -> memref<128xi32, #tpu.memory_space<hbm>>
    tpu.enqueue_dma source(%dma_start3A_41 : memref<128xi32, #tpu.memory_space<hbm>>) target(%dma_start3A_40 : memref<128xi32, #tpu.memory_space<vmem>>) target_semaphore(%arg10 : memref<!tpu.dma_semaphore, #tpu.memory_space<semaphore_mem>>)
    %dma_start3A_42 = arith.constant 0 : i32
    %dma_start3A_43 = tpu.memref_slice %arg2[%add3A_32, %dma_start3A_42, %mul3A_29] : memref<4x4096x768xf32, #tpu.memory_space<hbm>> -> memref<1x512x96xf32, #tpu.memory_space<hbm>>
    %dma_start3A_44 = tpu.memref_squeeze %dma_start3A_43 : memref<1x512x96xf32, #tpu.memory_space<hbm>> -> memref<512x96xf32, #tpu.memory_space<hbm>>
    %dma_start3A_45 = arith.constant 0 : i32
    %dma_start3A_46 = tpu.memref_slice %arg2[%add3A_32, %dma_start3A_45, %mul3A_29] : memref<4x4096x768xf32, #tpu.memory_space<hbm>> -> memref<1x512x96xf32, #tpu.memory_space<hbm>>
    %dma_start3A_47 = tpu.memref_squeeze %dma_start3A_46 : memref<1x512x96xf32, #tpu.memory_space<hbm>> -> memref<512x96xf32, #tpu.memory_space<hbm>>
    tpu.enqueue_dma source(%dma_start3A_47 : memref<512x96xf32, #tpu.memory_space<hbm>>) target(%arg5 : memref<512x96xf32, #tpu.memory_space<vmem>>) target_semaphore(%arg11 : memref<!tpu.dma_semaphore, #tpu.memory_space<semaphore_mem>>)
    %dma_wait3A = arith.constant 8 : i32
    %dma_wait3A_48 = tpu.memref_slice %arg7[%dma_wait3A] : memref<136xi32, #tpu.memory_space<vmem>> -> memref<128xi32, #tpu.memory_space<vmem>>
    %dma_wait3A_49 = tpu.memref_slice %arg3[%mul3A_36] : memref<512xi32, #tpu.memory_space<hbm>> -> memref<128xi32, #tpu.memory_space<hbm>>
    %dma_wait3A_50 = arith.constant 8 : i32
    %dma_wait3A_51 = tpu.memref_slice %arg7[%dma_wait3A_50] : memref<136xi32, #tpu.memory_space<vmem>> -> memref<128xi32, #tpu.memory_space<vmem>>
    %dma_wait3A_52 = tpu.memref_slice %arg3[%mul3A_36] : memref<512xi32, #tpu.memory_space<hbm>> -> memref<128xi32, #tpu.memory_space<hbm>>
    tpu.wait_dma2 semaphore(%arg10 : memref<!tpu.dma_semaphore, #tpu.memory_space<semaphore_mem>>) src(%dma_wait3A_52 : memref<128xi32, #tpu.memory_space<hbm>>) dst(%dma_wait3A_51 : memref<128xi32, #tpu.memory_space<vmem>>)
    %shift_right_arithmetic3A = arith.constant 1 : i32
    %shift_right_arithmetic3A_53 = vector.broadcast %shift_right_arithmetic3A : i32 to vector<16xi32>
    %shift_right_arithmetic3A_54 = arith.shrsi %iota3A, %shift_right_arithmetic3A_53 : vector<16xi32>
    %mul3A_55 = arith.constant 2 : i32
    %mul3A_56 = vector.broadcast %mul3A_55 : i32 to vector<16xi32>
    %mul3A_57 = arith.muli %mul3A_56, %shift_right_arithmetic3A_54 : vector<16xi32>
    %add3A_58 = arith.constant 8 : i32
    %add3A_59 = vector.broadcast %add3A_58 : i32 to vector<16xi32>
    %add3A_60 = arith.addi %add3A_59, %mul3A_57 : vector<16xi32>
    %gather3A = tpu.vector_load_idx %arg7[%add3A_60] : memref<136xi32, #tpu.memory_space<vmem>>[vector<16xi32>], vector<16xi32>,
    %add3A_61 = arith.constant 8 : i32
    %add3A_62 = vector.broadcast %add3A_61 : i32 to vector<16xi32>
    %add3A_63 = arith.addi %add3A_62, %mul3A_57 : vector<16xi32>
    %add3A_64 = arith.constant 1 : i32
    %add3A_65 = vector.broadcast %add3A_64 : i32 to vector<16xi32>
    %add3A_66 = arith.addi %add3A_63, %add3A_65 : vector<16xi32>
    %gather3A_67 = tpu.vector_load_idx %arg7[%add3A_66] : memref<136xi32, #tpu.memory_space<vmem>>[vector<16xi32>], vector<16xi32>,
    %sub3A_68 = arith.subi %gather3A_67, %gather3A : vector<16xi32>
    %convert_element_type3A = arith.sitofp %sub3A_68 : vector<16xi32> to vector<16xf32>
    %div3A_69 = arith.constant 1.000000e+00 : f32
    %div3A_70 = vector.broadcast %div3A_69 : f32 to vector<16xf32>
    %div3A_71 = arith.divf %div3A_70, %convert_element_type3A : vector<16xf32>
    %swap3A = arith.constant 8 : index
    %swap3A_72 = tpu.vector_load %arg8[%swap3A] {strides = array<i32>} : memref<136xf32, #tpu.memory_space<vmem>>, vector<16xf32>,
    tpu.vector_store %arg8[%swap3A], %div3A_71 {strides = array<i32>} : memref<136xf32, #tpu.memory_space<vmem>>, vector<16xf32>,
    %add3A_73 = arith.constant 24 : i32
    %add3A_74 = vector.broadcast %add3A_73 : i32 to vector<16xi32>
    %add3A_75 = arith.addi %add3A_74, %mul3A_57 : vector<16xi32>
    %gather3A_76 = tpu.vector_load_idx %arg7[%add3A_75] : memref<136xi32, #tpu.memory_space<vmem>>[vector<16xi32>], vector<16xi32>,
    %add3A_77 = arith.constant 24 : i32
    %add3A_78 = vector.broadcast %add3A_77 : i32 to vector<16xi32>
    %add3A_79 = arith.addi %add3A_78, %mul3A_57 : vector<16xi32>
    %add3A_80 = arith.constant 1 : i32
    %add3A_81 = vector.broadcast %add3A_80 : i32 to vector<16xi32>
    %add3A_82 = arith.addi %add3A_79, %add3A_81 : vector<16xi32>
    %gather3A_83 = tpu.vector_load_idx %arg7[%add3A_82] : memref<136xi32, #tpu.memory_space<vmem>>[vector<16xi32>], vector<16xi32>,
    %sub3A_84 = arith.subi %gather3A_83, %gather3A_76 : vector<16xi32>
    %convert_element_type3A_85 = arith.sitofp %sub3A_84 : vector<16xi32> to vector<16xf32>
    %div3A_86 = arith.constant 1.000000e+00 : f32
    %div3A_87 = vector.broadcast %div3A_86 : f32 to vector<16xf32>
    %div3A_88 = arith.divf %div3A_87, %convert_element_type3A_85 : vector<16xf32>
    %swap3A_89 = arith.constant 24 : index
    %swap3A_90 = tpu.vector_load %arg8[%swap3A_89] {strides = array<i32>} : memref<136xf32, #tpu.memory_space<vmem>>, vector<16xf32>,
    tpu.vector_store %arg8[%swap3A_89], %div3A_88 {strides = array<i32>} : memref<136xf32, #tpu.memory_space<vmem>>, vector<16xf32>,
    %add3A_91 = arith.constant 40 : i32
    %add3A_92 = vector.broadcast %add3A_91 : i32 to vector<16xi32>
    %add3A_93 = arith.addi %add3A_92, %mul3A_57 : vector<16xi32>
    %gather3A_94 = tpu.vector_load_idx %arg7[%add3A_93] : memref<136xi32, #tpu.memory_space<vmem>>[vector<16xi32>], vector<16xi32>,
    %add3A_95 = arith.constant 40 : i32
    %add3A_96 = vector.broadcast %add3A_95 : i32 to vector<16xi32>
    %add3A_97 = arith.addi %add3A_96, %mul3A_57 : vector<16xi32>
    %add3A_98 = arith.constant 1 : i32
    %add3A_99 = vector.broadcast %add3A_98 : i32 to vector<16xi32>
    %add3A_100 = arith.addi %add3A_97, %add3A_99 : vector<16xi32>
    %gather3A_101 = tpu.vector_load_idx %arg7[%add3A_100] : memref<136xi32, #tpu.memory_space<vmem>>[vector<16xi32>], vector<16xi32>,
    %sub3A_102 = arith.subi %gather3A_101, %gather3A_94 : vector<16xi32>
    %convert_element_type3A_103 = arith.sitofp %sub3A_102 : vector<16xi32> to vector<16xf32>
    %div3A_104 = arith.constant 1.000000e+00 : f32
    %div3A_105 = vector.broadcast %div3A_104 : f32 to vector<16xf32>
    %div3A_106 = arith.divf %div3A_105, %convert_element_type3A_103 : vector<16xf32>
    %swap3A_107 = arith.constant 40 : index
    %swap3A_108 = tpu.vector_load %arg8[%swap3A_107] {strides = array<i32>} : memref<136xf32, #tpu.memory_space<vmem>>, vector<16xf32>,
    tpu.vector_store %arg8[%swap3A_107], %div3A_106 {strides = array<i32>} : memref<136xf32, #tpu.memory_space<vmem>>, vector<16xf32>,
    %add3A_109 = arith.constant 56 : i32
    %add3A_110 = vector.broadcast %add3A_109 : i32 to vector<16xi32>
    %add3A_111 = arith.addi %add3A_110, %mul3A_57 : vector<16xi32>
    %gather3A_112 = tpu.vector_load_idx %arg7[%add3A_111] : memref<136xi32, #tpu.memory_space<vmem>>[vector<16xi32>], vector<16xi32>,
    %add3A_113 = arith.constant 56 : i32
    %add3A_114 = vector.broadcast %add3A_113 : i32 to vector<16xi32>
    %add3A_115 = arith.addi %add3A_114, %mul3A_57 : vector<16xi32>
    %add3A_116 = arith.constant 1 : i32
    %add3A_117 = vector.broadcast %add3A_116 : i32 to vector<16xi32>
    %add3A_118 = arith.addi %add3A_115, %add3A_117 : vector<16xi32>
    %gather3A_119 = tpu.vector_load_idx %arg7[%add3A_118] : memref<136xi32, #tpu.memory_space<vmem>>[vector<16xi32>], vector<16xi32>,
    %sub3A_120 = arith.subi %gather3A_119, %gather3A_112 : vector<16xi32>
    %convert_element_type3A_121 = arith.sitofp %sub3A_120 : vector<16xi32> to vector<16xf32>
    %div3A_122 = arith.constant 1.000000e+00 : f32
    %div3A_123 = vector.broadcast %div3A_122 : f32 to vector<16xf32>
    %div3A_124 = arith.divf %div3A_123, %convert_element_type3A_121 : vector<16xf32>
    %swap3A_125 = arith.constant 56 : index
    %swap3A_126 = tpu.vector_load %arg8[%swap3A_125] {strides = array<i32>} : memref<136xf32, #tpu.memory_space<vmem>>, vector<16xf32>,
    tpu.vector_store %arg8[%swap3A_125], %div3A_124 {strides = array<i32>} : memref<136xf32, #tpu.memory_space<vmem>>, vector<16xf32>,
    %add3A_127 = arith.constant 72 : i32
    %add3A_128 = vector.broadcast %add3A_127 : i32 to vector<16xi32>
    %add3A_129 = arith.addi %add3A_128, %mul3A_57 : vector<16xi32>
    %gather3A_130 = tpu.vector_load_idx %arg7[%add3A_129] : memref<136xi32, #tpu.memory_space<vmem>>[vector<16xi32>], vector<16xi32>,
    %add3A_131 = arith.constant 72 : i32
    %add3A_132 = vector.broadcast %add3A_131 : i32 to vector<16xi32>
    %add3A_133 = arith.addi %add3A_132, %mul3A_57 : vector<16xi32>
    %add3A_134 = arith.constant 1 : i32
    %add3A_135 = vector.broadcast %add3A_134 : i32 to vector<16xi32>
    %add3A_136 = arith.addi %add3A_133, %add3A_135 : vector<16xi32>
    %gather3A_137 = tpu.vector_load_idx %arg7[%add3A_136] : memref<136xi32, #tpu.memory_space<vmem>>[vector<16xi32>], vector<16xi32>,
    %sub3A_138 = arith.subi %gather3A_137, %gather3A_130 : vector<16xi32>
    %convert_element_type3A_139 = arith.sitofp %sub3A_138 : vector<16xi32> to vector<16xf32>
    %div3A_140 = arith.constant 1.000000e+00 : f32
    %div3A_141 = vector.broadcast %div3A_140 : f32 to vector<16xf32>
    %div3A_142 = arith.divf %div3A_141, %convert_element_type3A_139 : vector<16xf32>
    %swap3A_143 = arith.constant 72 : index
    %swap3A_144 = tpu.vector_load %arg8[%swap3A_143] {strides = array<i32>} : memref<136xf32, #tpu.memory_space<vmem>>, vector<16xf32>,
    tpu.vector_store %arg8[%swap3A_143], %div3A_142 {strides = array<i32>} : memref<136xf32, #tpu.memory_space<vmem>>, vector<16xf32>,
    %add3A_145 = arith.constant 88 : i32
    %add3A_146 = vector.broadcast %add3A_145 : i32 to vector<16xi32>
    %add3A_147 = arith.addi %add3A_146, %mul3A_57 : vector<16xi32>
    %gather3A_148 = tpu.vector_load_idx %arg7[%add3A_147] : memref<136xi32, #tpu.memory_space<vmem>>[vector<16xi32>], vector<16xi32>,
    %add3A_149 = arith.constant 88 : i32
    %add3A_150 = vector.broadcast %add3A_149 : i32 to vector<16xi32>
    %add3A_151 = arith.addi %add3A_150, %mul3A_57 : vector<16xi32>
    %add3A_152 = arith.constant 1 : i32
    %add3A_153 = vector.broadcast %add3A_152 : i32 to vector<16xi32>
    %add3A_154 = arith.addi %add3A_151, %add3A_153 : vector<16xi32>
    %gather3A_155 = tpu.vector_load_idx %arg7[%add3A_154] : memref<136xi32, #tpu.memory_space<vmem>>[vector<16xi32>], vector<16xi32>,
    %sub3A_156 = arith.subi %gather3A_155, %gather3A_148 : vector<16xi32>
    %convert_element_type3A_157 = arith.sitofp %sub3A_156 : vector<16xi32> to vector<16xf32>
    %div3A_158 = arith.constant 1.000000e+00 : f32
    %div3A_159 = vector.broadcast %div3A_158 : f32 to vector<16xf32>
    %div3A_160 = arith.divf %div3A_159, %convert_element_type3A_157 : vector<16xf32>
    %swap3A_161 = arith.constant 88 : index
    %swap3A_162 = tpu.vector_load %arg8[%swap3A_161] {strides = array<i32>} : memref<136xf32, #tpu.memory_space<vmem>>, vector<16xf32>,
    tpu.vector_store %arg8[%swap3A_161], %div3A_160 {strides = array<i32>} : memref<136xf32, #tpu.memory_space<vmem>>, vector<16xf32>,
    %add3A_163 = arith.constant 104 : i32
    %add3A_164 = vector.broadcast %add3A_163 : i32 to vector<16xi32>
    %add3A_165 = arith.addi %add3A_164, %mul3A_57 : vector<16xi32>
    %gather3A_166 = tpu.vector_load_idx %arg7[%add3A_165] : memref<136xi32, #tpu.memory_space<vmem>>[vector<16xi32>], vector<16xi32>,
    %add3A_167 = arith.constant 104 : i32
    %add3A_168 = vector.broadcast %add3A_167 : i32 to vector<16xi32>
    %add3A_169 = arith.addi %add3A_168, %mul3A_57 : vector<16xi32>
    %add3A_170 = arith.constant 1 : i32
    %add3A_171 = vector.broadcast %add3A_170 : i32 to vector<16xi32>
    %add3A_172 = arith.addi %add3A_169, %add3A_171 : vector<16xi32>
    %gather3A_173 = tpu.vector_load_idx %arg7[%add3A_172] : memref<136xi32, #tpu.memory_space<vmem>>[vector<16xi32>], vector<16xi32>,
    %sub3A_174 = arith.subi %gather3A_173, %gather3A_166 : vector<16xi32>
    %convert_element_type3A_175 = arith.sitofp %sub3A_174 : vector<16xi32> to vector<16xf32>
    %div3A_176 = arith.constant 1.000000e+00 : f32
    %div3A_177 = vector.broadcast %div3A_176 : f32 to vector<16xf32>
    %div3A_178 = arith.divf %div3A_177, %convert_element_type3A_175 : vector<16xf32>
    %swap3A_179 = arith.constant 104 : index
    %swap3A_180 = tpu.vector_load %arg8[%swap3A_179] {strides = array<i32>} : memref<136xf32, #tpu.memory_space<vmem>>, vector<16xf32>,
    tpu.vector_store %arg8[%swap3A_179], %div3A_178 {strides = array<i32>} : memref<136xf32, #tpu.memory_space<vmem>>, vector<16xf32>,
    %add3A_181 = arith.constant 120 : i32
    %add3A_182 = vector.broadcast %add3A_181 : i32 to vector<16xi32>
    %add3A_183 = arith.addi %add3A_182, %mul3A_57 : vector<16xi32>
    %gather3A_184 = tpu.vector_load_idx %arg7[%add3A_183] : memref<136xi32, #tpu.memory_space<vmem>>[vector<16xi32>], vector<16xi32>,
    %add3A_185 = arith.constant 120 : i32
    %add3A_186 = vector.broadcast %add3A_185 : i32 to vector<16xi32>
    %add3A_187 = arith.addi %add3A_186, %mul3A_57 : vector<16xi32>
    %add3A_188 = arith.constant 1 : i32
    %add3A_189 = vector.broadcast %add3A_188 : i32 to vector<16xi32>
    %add3A_190 = arith.addi %add3A_187, %add3A_189 : vector<16xi32>
    %gather3A_191 = tpu.vector_load_idx %arg7[%add3A_190] : memref<136xi32, #tpu.memory_space<vmem>>[vector<16xi32>], vector<16xi32>,
    %sub3A_192 = arith.subi %gather3A_191, %gather3A_184 : vector<16xi32>
    %convert_element_type3A_193 = arith.sitofp %sub3A_192 : vector<16xi32> to vector<16xf32>
    %div3A_194 = arith.constant 1.000000e+00 : f32
    %div3A_195 = vector.broadcast %div3A_194 : f32 to vector<16xf32>
    %div3A_196 = arith.divf %div3A_195, %convert_element_type3A_193 : vector<16xf32>
    %swap3A_197 = arith.constant 120 : index
    %swap3A_198 = tpu.vector_load %arg8[%swap3A_197] {strides = array<i32>} : memref<136xf32, #tpu.memory_space<vmem>>, vector<16xf32>,
    tpu.vector_store %arg8[%swap3A_197], %div3A_196 {strides = array<i32>} : memref<136xf32, #tpu.memory_space<vmem>>, vector<16xf32>,
    %dma_wait3A_199 = arith.constant 0 : i32
    %dma_wait3A_200 = tpu.memref_slice %arg2[%add3A_32, %dma_wait3A_199, %mul3A_29] : memref<4x4096x768xf32, #tpu.memory_space<hbm>> -> memref<1x512x96xf32, #tpu.memory_space<hbm>>
    %dma_wait3A_201 = tpu.memref_squeeze %dma_wait3A_200 : memref<1x512x96xf32, #tpu.memory_space<hbm>> -> memref<512x96xf32, #tpu.memory_space<hbm>>
    %dma_wait3A_202 = arith.constant 0 : i32
    %dma_wait3A_203 = tpu.memref_slice %arg2[%add3A_32, %dma_wait3A_202, %mul3A_29] : memref<4x4096x768xf32, #tpu.memory_space<hbm>> -> memref<1x512x96xf32, #tpu.memory_space<hbm>>
    %dma_wait3A_204 = tpu.memref_squeeze %dma_wait3A_203 : memref<1x512x96xf32, #tpu.memory_space<hbm>> -> memref<512x96xf32, #tpu.memory_space<hbm>>
    tpu.wait_dma2 semaphore(%arg11 : memref<!tpu.dma_semaphore, #tpu.memory_space<semaphore_mem>>) src(%dma_wait3A_204 : memref<512x96xf32, #tpu.memory_space<hbm>>) dst(%arg5 : memref<512x96xf32, #tpu.memory_space<vmem>>)
    %broadcast_in_dim3A = arith.constant 0.000000e+00 : f32
    %broadcast_in_dim3A_205 = vector.broadcast %broadcast_in_dim3A : f32 to vector<16xf32>
    %parallel_loop3A = arith.constant 0 : i32
    %parallel_loop3A_206 = arith.constant 512 : i32
    %parallel_loop3A_207 = arith.constant 1 : i32
    %parallel_loop3A_208:6 = scf.for %parallel_loop3A_214 = %parallel_loop3A to %parallel_loop3A_206 step %parallel_loop3A_207 iter_args(%parallel_loop3A_215 = %broadcast_in_dim3A_205, %parallel_loop3A_216 = %broadcast_in_dim3A_205, %parallel_loop3A_217 = %broadcast_in_dim3A_205, %parallel_loop3A_218 = %broadcast_in_dim3A_205, %parallel_loop3A_219 = %broadcast_in_dim3A_205, %parallel_loop3A_220 = %broadcast_in_dim3A_205) -> (vector<16xf32>, vector<16xf32>, vector<16xf32>, vector<16xf32>, vector<16xf32>, vector<16xf32>)  : i32 {
      %parallel_loop3A_221 = vector.broadcast %parallel_loop3A_214 : i32 to vector<16xi32>
      %parallel_loop3A_222 = arith.constant 0 : i32
      %parallel_loop3A_223 = vector.broadcast %parallel_loop3A_222 : i32 to vector<16xi32>
      %parallel_loop3A_224 = arith.addi %parallel_loop3A_223, %iota3A : vector<16xi32>
      %parallel_loop3A_225 = tpu.vector_load_idx %arg5[%parallel_loop3A_221, %parallel_loop3A_224] : memref<512x96xf32, #tpu.memory_space<vmem>>[vector<16xi32>, vector<16xi32>], vector<16xf32>,
      tpu.vector_store_idx %arg6[%parallel_loop3A_221, %parallel_loop3A_224], %parallel_loop3A_215 : memref<512x96xf32, #tpu.memory_space<vmem>>[vector<16xi32>, vector<16xi32>], vector<16xf32>,
      %parallel_loop3A_226 = arith.addf %parallel_loop3A_215, %parallel_loop3A_225 : vector<16xf32>
      %parallel_loop3A_227 = arith.constant 16 : i32
      %parallel_loop3A_228 = vector.broadcast %parallel_loop3A_227 : i32 to vector<16xi32>
      %parallel_loop3A_229 = arith.addi %parallel_loop3A_228, %iota3A : vector<16xi32>
      %parallel_loop3A_230 = tpu.vector_load_idx %arg5[%parallel_loop3A_221, %parallel_loop3A_229] : memref<512x96xf32, #tpu.memory_space<vmem>>[vector<16xi32>, vector<16xi32>], vector<16xf32>,
      tpu.vector_store_idx %arg6[%parallel_loop3A_221, %parallel_loop3A_229], %parallel_loop3A_216 : memref<512x96xf32, #tpu.memory_space<vmem>>[vector<16xi32>, vector<16xi32>], vector<16xf32>,
      %parallel_loop3A_231 = arith.addf %parallel_loop3A_216, %parallel_loop3A_230 : vector<16xf32>
      %parallel_loop3A_232 = arith.constant 32 : i32
      %parallel_loop3A_233 = vector.broadcast %parallel_loop3A_232 : i32 to vector<16xi32>
      %parallel_loop3A_234 = arith.addi %parallel_loop3A_233, %iota3A : vector<16xi32>
      %parallel_loop3A_235 = tpu.vector_load_idx %arg5[%parallel_loop3A_221, %parallel_loop3A_234] : memref<512x96xf32, #tpu.memory_space<vmem>>[vector<16xi32>, vector<16xi32>], vector<16xf32>,
      tpu.vector_store_idx %arg6[%parallel_loop3A_221, %parallel_loop3A_234], %parallel_loop3A_217 : memref<512x96xf32, #tpu.memory_space<vmem>>[vector<16xi32>, vector<16xi32>], vector<16xf32>,
      %parallel_loop3A_236 = arith.addf %parallel_loop3A_217, %parallel_loop3A_235 : vector<16xf32>
      %parallel_loop3A_237 = arith.constant 48 : i32
      %parallel_loop3A_238 = vector.broadcast %parallel_loop3A_237 : i32 to vector<16xi32>
      %parallel_loop3A_239 = arith.addi %parallel_loop3A_238, %iota3A : vector<16xi32>
      %parallel_loop3A_240 = tpu.vector_load_idx %arg5[%parallel_loop3A_221, %parallel_loop3A_239] : memref<512x96xf32, #tpu.memory_space<vmem>>[vector<16xi32>, vector<16xi32>], vector<16xf32>,
      tpu.vector_store_idx %arg6[%parallel_loop3A_221, %parallel_loop3A_239], %parallel_loop3A_218 : memref<512x96xf32, #tpu.memory_space<vmem>>[vector<16xi32>, vector<16xi32>], vector<16xf32>,
      %parallel_loop3A_241 = arith.addf %parallel_loop3A_218, %parallel_loop3A_240 : vector<16xf32>
      %parallel_loop3A_242 = arith.constant 64 : i32
      %parallel_loop3A_243 = vector.broadcast %parallel_loop3A_242 : i32 to vector<16xi32>
      %parallel_loop3A_244 = arith.addi %parallel_loop3A_243, %iota3A : vector<16xi32>
      %parallel_loop3A_245 = tpu.vector_load_idx %arg5[%parallel_loop3A_221, %parallel_loop3A_244] : memref<512x96xf32, #tpu.memory_space<vmem>>[vector<16xi32>, vector<16xi32>], vector<16xf32>,
      tpu.vector_store_idx %arg6[%parallel_loop3A_221, %parallel_loop3A_244], %parallel_loop3A_219 : memref<512x96xf32, #tpu.memory_space<vmem>>[vector<16xi32>, vector<16xi32>], vector<16xf32>,
      %parallel_loop3A_246 = arith.addf %parallel_loop3A_219, %parallel_loop3A_245 : vector<16xf32>
      %parallel_loop3A_247 = arith.constant 80 : i32
      %parallel_loop3A_248 = vector.broadcast %parallel_loop3A_247 : i32 to vector<16xi32>
      %parallel_loop3A_249 = arith.addi %parallel_loop3A_248, %iota3A : vector<16xi32>
      %parallel_loop3A_250 = tpu.vector_load_idx %arg5[%parallel_loop3A_221, %parallel_loop3A_249] : memref<512x96xf32, #tpu.memory_space<vmem>>[vector<16xi32>, vector<16xi32>], vector<16xf32>,
      tpu.vector_store_idx %arg6[%parallel_loop3A_221, %parallel_loop3A_249], %parallel_loop3A_220 : memref<512x96xf32, #tpu.memory_space<vmem>>[vector<16xi32>, vector<16xi32>], vector<16xf32>,
      %parallel_loop3A_251 = arith.addf %parallel_loop3A_220, %parallel_loop3A_250 : vector<16xf32>
      scf.yield %parallel_loop3A_226, %parallel_loop3A_231, %parallel_loop3A_236, %parallel_loop3A_241, %parallel_loop3A_246, %parallel_loop3A_251 : vector<16xf32>, vector<16xf32>, vector<16xf32>, vector<16xf32>, vector<16xf32>, vector<16xf32>
    } {sc.loop_unroll_factor = 8 : i64, sc.parallel_access}
    %parallel_loop3A_209 = arith.constant 0 : i32
    %parallel_loop3A_210 = arith.constant 64 : i32
    %parallel_loop3A_211 = arith.constant 1 : i32
    scf.for %parallel_loop3A_214 = %parallel_loop3A_209 to %parallel_loop3A_210 step %parallel_loop3A_211  : i32 {
      %parallel_loop3A_215 = arith.constant 2 : i32
      %parallel_loop3A_216 = arith.muli %parallel_loop3A_215, %parallel_loop3A_214 : i32
      %parallel_loop3A_217 = arith.constant 8 : i32
      %parallel_loop3A_218 = arith.addi %parallel_loop3A_217, %parallel_loop3A_216 : i32
      %parallel_loop3A_219 = vector.broadcast %parallel_loop3A_218 : i32 to vector<16xi32>
      %parallel_loop3A_220 = tpu.vector_load_idx %arg7[%parallel_loop3A_219] : memref<136xi32, #tpu.memory_space<vmem>>[vector<16xi32>], vector<16xi32>,
      %parallel_loop3A_221 = arith.constant 2 : i32
      %parallel_loop3A_222 = arith.muli %parallel_loop3A_221, %parallel_loop3A_214 : i32
      %parallel_loop3A_223 = arith.constant 8 : i32
      %parallel_loop3A_224 = arith.addi %parallel_loop3A_223, %parallel_loop3A_222 : i32
      %parallel_loop3A_225 = arith.constant 1 : i32
      %parallel_loop3A_226 = arith.addi %parallel_loop3A_224, %parallel_loop3A_225 : i32
      %parallel_loop3A_227 = vector.broadcast %parallel_loop3A_226 : i32 to vector<16xi32>
      %parallel_loop3A_228 = tpu.vector_load_idx %arg7[%parallel_loop3A_227] : memref<136xi32, #tpu.memory_space<vmem>>[vector<16xi32>], vector<16xi32>,
      %parallel_loop3A_229 = arith.constant 2 : i32
      %parallel_loop3A_230 = arith.muli %parallel_loop3A_229, %parallel_loop3A_214 : i32
      %parallel_loop3A_231 = arith.constant 8 : i32
      %parallel_loop3A_232 = arith.addi %parallel_loop3A_231, %parallel_loop3A_230 : i32
      %parallel_loop3A_233 = vector.broadcast %parallel_loop3A_232 : i32 to vector<16xi32>
      %parallel_loop3A_234 = tpu.vector_load_idx %arg8[%parallel_loop3A_233] : memref<136xf32, #tpu.memory_space<vmem>>[vector<16xi32>], vector<16xf32>,
      %parallel_loop3A_235 = vector.broadcast %parallel_loop3A_214 : i32 to vector<16xi32>
      %parallel_loop3A_236 = arith.constant 0 : i32
      %parallel_loop3A_237 = vector.broadcast %parallel_loop3A_236 : i32 to vector<16xi32>
      %parallel_loop3A_238 = arith.addi %parallel_loop3A_237, %iota3A : vector<16xi32>
      %parallel_loop3A_239 = tpu.vector_load_idx %arg6[%parallel_loop3A_228, %parallel_loop3A_238] : memref<512x96xf32, #tpu.memory_space<vmem>>[vector<16xi32>, vector<16xi32>], vector<16xf32>,
      %parallel_loop3A_240 = tpu.vector_load_idx %arg6[%parallel_loop3A_220, %parallel_loop3A_238] : memref<512x96xf32, #tpu.memory_space<vmem>>[vector<16xi32>, vector<16xi32>], vector<16xf32>,
      %parallel_loop3A_241 = arith.subf %parallel_loop3A_239, %parallel_loop3A_240 : vector<16xf32>
      %parallel_loop3A_242 = arith.mulf %parallel_loop3A_241, %parallel_loop3A_234 : vector<16xf32>
      tpu.vector_store_idx %arg9[%parallel_loop3A_235, %parallel_loop3A_238], %parallel_loop3A_242 : memref<64x96xf32, #tpu.memory_space<vmem>>[vector<16xi32>, vector<16xi32>], vector<16xf32>,
      %parallel_loop3A_243 = arith.constant 16 : i32
      %parallel_loop3A_244 = vector.broadcast %parallel_loop3A_243 : i32 to vector<16xi32>
      %parallel_loop3A_245 = arith.addi %parallel_loop3A_244, %iota3A : vector<16xi32>
      %parallel_loop3A_246 = tpu.vector_load_idx %arg6[%parallel_loop3A_228, %parallel_loop3A_245] : memref<512x96xf32, #tpu.memory_space<vmem>>[vector<16xi32>, vector<16xi32>], vector<16xf32>,
      %parallel_loop3A_247 = tpu.vector_load_idx %arg6[%parallel_loop3A_220, %parallel_loop3A_245] : memref<512x96xf32, #tpu.memory_space<vmem>>[vector<16xi32>, vector<16xi32>], vector<16xf32>,
      %parallel_loop3A_248 = arith.subf %parallel_loop3A_246, %parallel_loop3A_247 : vector<16xf32>
      %parallel_loop3A_249 = arith.mulf %parallel_loop3A_248, %parallel_loop3A_234 : vector<16xf32>
      tpu.vector_store_idx %arg9[%parallel_loop3A_235, %parallel_loop3A_245], %parallel_loop3A_249 : memref<64x96xf32, #tpu.memory_space<vmem>>[vector<16xi32>, vector<16xi32>], vector<16xf32>,
      %parallel_loop3A_250 = arith.constant 32 : i32
      %parallel_loop3A_251 = vector.broadcast %parallel_loop3A_250 : i32 to vector<16xi32>
      %parallel_loop3A_252 = arith.addi %parallel_loop3A_251, %iota3A : vector<16xi32>
      %parallel_loop3A_253 = tpu.vector_load_idx %arg6[%parallel_loop3A_228, %parallel_loop3A_252] : memref<512x96xf32, #tpu.memory_space<vmem>>[vector<16xi32>, vector<16xi32>], vector<16xf32>,
      %parallel_loop3A_254 = tpu.vector_load_idx %arg6[%parallel_loop3A_220, %parallel_loop3A_252] : memref<512x96xf32, #tpu.memory_space<vmem>>[vector<16xi32>, vector<16xi32>], vector<16xf32>,
      %parallel_loop3A_255 = arith.subf %parallel_loop3A_253, %parallel_loop3A_254 : vector<16xf32>
      %parallel_loop3A_256 = arith.mulf %parallel_loop3A_255, %parallel_loop3A_234 : vector<16xf32>
      tpu.vector_store_idx %arg9[%parallel_loop3A_235, %parallel_loop3A_252], %parallel_loop3A_256 : memref<64x96xf32, #tpu.memory_space<vmem>>[vector<16xi32>, vector<16xi32>], vector<16xf32>,
      %parallel_loop3A_257 = arith.constant 48 : i32
      %parallel_loop3A_258 = vector.broadcast %parallel_loop3A_257 : i32 to vector<16xi32>
      %parallel_loop3A_259 = arith.addi %parallel_loop3A_258, %iota3A : vector<16xi32>
      %parallel_loop3A_260 = tpu.vector_load_idx %arg6[%parallel_loop3A_228, %parallel_loop3A_259] : memref<512x96xf32, #tpu.memory_space<vmem>>[vector<16xi32>, vector<16xi32>], vector<16xf32>,
      %parallel_loop3A_261 = tpu.vector_load_idx %arg6[%parallel_loop3A_220, %parallel_loop3A_259] : memref<512x96xf32, #tpu.memory_space<vmem>>[vector<16xi32>, vector<16xi32>], vector<16xf32>,
      %parallel_loop3A_262 = arith.subf %parallel_loop3A_260, %parallel_loop3A_261 : vector<16xf32>
      %parallel_loop3A_263 = arith.mulf %parallel_loop3A_262, %parallel_loop3A_234 : vector<16xf32>
      tpu.vector_store_idx %arg9[%parallel_loop3A_235, %parallel_loop3A_259], %parallel_loop3A_263 : memref<64x96xf32, #tpu.memory_space<vmem>>[vector<16xi32>, vector<16xi32>], vector<16xf32>,
      %parallel_loop3A_264 = arith.constant 64 : i32
      %parallel_loop3A_265 = vector.broadcast %parallel_loop3A_264 : i32 to vector<16xi32>
      %parallel_loop3A_266 = arith.addi %parallel_loop3A_265, %iota3A : vector<16xi32>
      %parallel_loop3A_267 = tpu.vector_load_idx %arg6[%parallel_loop3A_228, %parallel_loop3A_266] : memref<512x96xf32, #tpu.memory_space<vmem>>[vector<16xi32>, vector<16xi32>], vector<16xf32>,
      %parallel_loop3A_268 = tpu.vector_load_idx %arg6[%parallel_loop3A_220, %parallel_loop3A_266] : memref<512x96xf32, #tpu.memory_space<vmem>>[vector<16xi32>, vector<16xi32>], vector<16xf32>,
      %parallel_loop3A_269 = arith.subf %parallel_loop3A_267, %parallel_loop3A_268 : vector<16xf32>
      %parallel_loop3A_270 = arith.mulf %parallel_loop3A_269, %parallel_loop3A_234 : vector<16xf32>
      tpu.vector_store_idx %arg9[%parallel_loop3A_235, %parallel_loop3A_266], %parallel_loop3A_270 : memref<64x96xf32, #tpu.memory_space<vmem>>[vector<16xi32>, vector<16xi32>], vector<16xf32>,
      %parallel_loop3A_271 = arith.constant 80 : i32
      %parallel_loop3A_272 = vector.broadcast %parallel_loop3A_271 : i32 to vector<16xi32>
      %parallel_loop3A_273 = arith.addi %parallel_loop3A_272, %iota3A : vector<16xi32>
      %parallel_loop3A_274 = tpu.vector_load_idx %arg6[%parallel_loop3A_228, %parallel_loop3A_273] : memref<512x96xf32, #tpu.memory_space<vmem>>[vector<16xi32>, vector<16xi32>], vector<16xf32>,
      %parallel_loop3A_275 = tpu.vector_load_idx %arg6[%parallel_loop3A_220, %parallel_loop3A_273] : memref<512x96xf32, #tpu.memory_space<vmem>>[vector<16xi32>, vector<16xi32>], vector<16xf32>,
      %parallel_loop3A_276 = arith.subf %parallel_loop3A_274, %parallel_loop3A_275 : vector<16xf32>
      %parallel_loop3A_277 = arith.mulf %parallel_loop3A_276, %parallel_loop3A_234 : vector<16xf32>
      tpu.vector_store_idx %arg9[%parallel_loop3A_235, %parallel_loop3A_273], %parallel_loop3A_277 : memref<64x96xf32, #tpu.memory_space<vmem>>[vector<16xi32>, vector<16xi32>], vector<16xf32>,
    } {sc.loop_unroll_factor = 4 : i64, sc.parallel_access}
    %mul3A_212 = arith.constant 64 : i32
    %mul3A_213 = arith.muli %add3A_32, %mul3A_212 : i32
    "tpu.region"() ({
      %run_scoped3A = tpu.sem_alloc : memref<!tpu.dma_semaphore, #tpu.memory_space<semaphore_mem>>
      %dma_start3A_214 = tpu.memref_slice %arg4[%mul3A_213, %mul3A_29] : memref<256x768xf32, #tpu.memory_space<hbm>> -> memref<64x96xf32, #tpu.memory_space<hbm>>
      %dma_start3A_215 = tpu.memref_slice %arg4[%mul3A_213, %mul3A_29] : memref<256x768xf32, #tpu.memory_space<hbm>> -> memref<64x96xf32, #tpu.memory_space<hbm>>
      tpu.enqueue_dma source(%arg9 : memref<64x96xf32, #tpu.memory_space<vmem>>) target(%dma_start3A_215 : memref<64x96xf32, #tpu.memory_space<hbm>>) target_semaphore(%run_scoped3A : memref<!tpu.dma_semaphore, #tpu.memory_space<semaphore_mem>>)
      %dma_wait3A_216 = tpu.memref_slice %arg4[%mul3A_213, %mul3A_29] : memref<256x768xf32, #tpu.memory_space<hbm>> -> memref<64x96xf32, #tpu.memory_space<hbm>>
      %dma_wait3A_217 = tpu.memref_slice %arg4[%mul3A_213, %mul3A_29] : memref<256x768xf32, #tpu.memory_space<hbm>> -> memref<64x96xf32, #tpu.memory_space<hbm>>
      tpu.wait_dma2 semaphore(%run_scoped3A : memref<!tpu.dma_semaphore, #tpu.memory_space<semaphore_mem>>) src(%arg9 : memref<64x96xf32, #tpu.memory_space<vmem>>) dst(%dma_wait3A_217 : memref<64x96xf32, #tpu.memory_space<hbm>>)
      tpu.yield
    }) : () -> ()
    return
  }
}

</mosaic_0001>

<sc_bundles>
// kernel: kernel.3.cloned.1.call-start
scs
__scs_entry_jumppad:
0x0: {  	(pc) =	sbr.rel $0x88, $3  }
0x1: {  	(tag) =	ssettag $0x0;
	lr =	simm.s32 $0x1  }
0x2: {  	[smem:$0x3F9F] =	sst lr;
	_ =	strace $0xD0000000  }
0x3: {  	_ = 	snop  }
0x4: {  	_ = 	snop  }
0x5: {  	_ = 	snop  }
0x6: {  	_ = 	snop  }
0x7: {  	_ = 	snop  }
__scs_overlays_trampoline_lowered:
0x8: {  	[smem:$0x3FAE] =	sst s0  }
0x9: {  	[smem:$0x3FAF] =	sst s1  }
0xa: {  	[smem:$0x3FB0] =	sst s2  }
0xb: {  	[smem:$0x3FB1] =	sst s3  }
0xc: {  	[smem:$0x3FB2] =	sst s4  }
0xd: {  	[smem:$0x3FB3] =	sst s5  }
0xe: {  	[smem:$0x3FB4] =	sst s6  }
0xf: {  	[smem:$0x3FB5] =	sst s7  }
0x10: {  	[smem:$0x3FB6] =	sst s8  }
0x11: {  	[smem:$0x3FB7] =	sst s9;
	s0 =	simm.s32 @!p0 $0x0  }
0x12: {  	s1 =	sld [smem:$0x3F9D];
	s0 =	simm.s32 @p0 $0x1  }
0x13: {  	[smem:$0x3FB8] =	sst s0;
	s0 =	simm.s32 @!p1 $0x0  }
0x14: {  	s2 =	sld [smem:$0x3F9C];
	s0 =	simm.s32 @p1 $0x1  }
0x15: {  	[smem:$0x3FB9] =	sst s0;
	s0 =	simm.s32 @!p2 $0x0  }
0x16: {  	s3 =	sld [smem:$0x3FDB];
	s0 =	simm.s32 @p2 $0x1  }
0x17: {  	s4 =	simm.s32 $0x1BF5;
	[smem:$0x3FBB] =	sst s0  }
0x18: {  	s0 =	sld [smem:$0x3F9E];
	_ =	swait.ge [sflag:s4], $0x0  }
0x19: {  	s7 =	sld [smem:$0x3F9F]  }
0x1a: {  	s8 =	sadd.s32 $0xFFFFE003, lr  }
0x1b: {  	s9 =	sadd.s32 $0xFFFFFEF7, lr;
	s5 =	simm.s32 $0xFFFFFFFF;
	p2 =	slt.u32 s8, $0xFFFFF086  }
0x1c: {  	p1 =	slt.u32 s9, $0xF7A;
	s5 =	simm.s32 @!p2 $0x0  }
0x1d: {  	s5 =	simm.s32 @p1 $0x1;
	p0 =	seq.s32 s7, s2  }
0x1e: {  	s7 =	smul.u32 @!p0 $0xF7A, s2;
	p2 =	seq.s32 @!p0 s5, $0x0  }
0x1f: {  	s9 =	smul.u32 $0xF7A, s1;
	s8 =	simm.s32 @!p0 $0x1BF5;
	p2 =	por !p2, p0  }
0x20: {  	[sflag:s8] =	ssyncset.s32 @!p0 $0xFFFFF086;
	s6 =	sadd.s32 @!p0 s3, s7;
	s7 =	simm.s32 @!p0 $0x108  }
0x21: {  	s3 =	sadd.s32 s3, s9;
	s6 =	sadd.s32 @!p0 $0x88, s6;
	s7 =	simm.s32 @p2 $0x1082  }
0x22: {  	[simem:s7], [sflag:s8] =	dma.local @!p0 [hbm:s6], $0xF7A  }
0x23: {  	s9 =	sor.u32 $0xD0000000, s2;
	s6 =	simm.s32 $0x108;
	_ =	swait.ge @!p0 [sflag:s8], $0x0  }
0x24: {  	s3 =	sadd.s32 $0x88, s3;
	s6 =	simm.s32 @!p1 $0x1082;
	[sflag:s4] =	ssyncset.s32 $0xFFFFF086  }
0x25: {  	[simem:s6], [sflag:s4] =	dma.local [hbm:s3], $0xF7A  }
0x26: {  	[smem:$0x3F9F] =	sst s1;
	(tag) =	ssettag s2;
	_ =	strace s9  }
0x27: {  	s1 =	sld [smem:$0x3FAF]  }
0x28: {  	s2 =	sld [smem:$0x3FB0]  }
0x29: {  	s4 =	sld [smem:$0x3FB2]  }
0x2a: {  	p0 =	seq.s32 s5, $0x0;
	s5 =	sld [smem:$0x3FB3]  }
0x2b: {  	s6 =	sld [smem:$0x3FB4]  }
0x2c: {  	s7 =	sld [smem:$0x3FB5]  }
0x2d: {  	s3 =	simm.s32 $0x108;
	s8 =	sld [smem:$0x3FB6]  }
0x2e: {  	s3 =	simm.s32 @!p0 $0x1082;
	s9 =	sld [smem:$0x3FB7]  }
0x2f: {  	lr =	sadd.s32 s0, s3;
	s0 =	sld [smem:$0x3FAE]  }
0x30: {  	s3 =	sld [smem:$0x3FB1]  }
0x31: {  	[smem:$0x3FBA] =	sst s10  }
0x32: {  	s10 =	sld [smem:$0x3FB8];
	_ =	sdelay $0x3  }
0x33: {  	p0 =	seq.s32 s10, $0x1;
	s10 =	sld [smem:$0x3FBA];
	_ =	sdelay $0x3  }
0x34: {  	[smem:$0x3FBA] =	sst s10  }
0x35: {  	s10 =	sld [smem:$0x3FB9];
	_ =	sdelay $0x3  }
0x36: {  	p1 =	seq.s32 s10, $0x1;
	s10 =	sld [smem:$0x3FBA];
	_ =	sdelay $0x3  }
0x37: {  	[smem:$0x3FBA] =	sst s10  }
0x38: {  	s10 =	sld [smem:$0x3FBB]  }
0x39: {  	_ = 	snop;
	(pc) =	sbr.ind lr, $3  }
0x3a: {  	_ = 	snop  }
0x3b: {  	_ = 	snop  }
0x3c: {  	p2 =	seq.s32 s10, $0x1;
	s10 =	sld [smem:$0x3FBA]  }
0x3d: {  	_ =	shalt  }
0x3e: {  	_ =	shalt  }
0x3f: {  	_ =	shalt  }
0x40: {  	_ =	shalt  }
0x41: {  	_ =	shalt  }
0x42: {  	_ =	shalt  }
0x43: {  	_ =	shalt  }
0x44: {  	_ =	shalt  }
0x45: {  	_ =	shalt  }
0x46: {  	_ =	shalt  }
0x47: {  	_ =	shalt  }
0x48: {  	_ =	shalt  }
0x49: {  	_ =	shalt  }
0x4a: {  	_ =	shalt  }
0x4b: {  	_ =	shalt  }
0x4c: {  	_ =	shalt  }
0x4d: {  	_ =	shalt  }
0x4e: {  	_ =	shalt  }
0x4f: {  	_ =	shalt  }
0x50: {  	_ =	shalt  }
0x51: {  	_ =	shalt  }
0x52: {  	_ =	shalt  }
0x53: {  	_ =	shalt  }
0x54: {  	_ =	shalt  }
0x55: {  	_ =	shalt  }
0x56: {  	_ =	shalt  }
0x57: {  	_ =	shalt  }
0x58: {  	_ =	shalt  }
0x59: {  	_ =	shalt  }
0x5a: {  	_ =	shalt  }
0x5b: {  	_ =	shalt  }
0x5c: {  	_ =	shalt  }
0x5d: {  	_ =	shalt  }
0x5e: {  	_ =	shalt  }
0x5f: {  	_ =	shalt  }
0x60: {  	_ =	shalt  }
0x61: {  	_ =	shalt  }
0x62: {  	_ =	shalt  }
0x63: {  	_ =	shalt  }
0x64: {  	_ =	shalt  }
0x65: {  	_ =	shalt  }
0x66: {  	_ =	shalt  }
0x67: {  	_ =	shalt  }
0x68: {  	_ =	shalt  }
0x69: {  	_ =	shalt  }
0x6a: {  	_ =	shalt  }
0x6b: {  	_ =	shalt  }
0x6c: {  	_ =	shalt  }
0x6d: {  	_ =	shalt  }
0x6e: {  	_ =	shalt  }
0x6f: {  	_ =	shalt  }
0x70: {  	_ =	shalt  }
0x71: {  	_ =	shalt  }
0x72: {  	_ =	shalt  }
0x73: {  	_ =	shalt  }
0x74: {  	_ =	shalt  }
0x75: {  	_ =	shalt  }
0x76: {  	_ =	shalt  }
0x77: {  	_ =	shalt  }
0x78: {  	_ =	shalt  }
0x79: {  	_ =	shalt  }
0x7a: {  	_ =	shalt  }
0x7b: {  	_ =	shalt  }
0x7c: {  	_ =	shalt  }
0x7d: {  	_ =	shalt  }
0x7e: {  	_ =	shalt  }
0x7f: {  	_ =	shalt  }
0x80: {  	_ =	shalt  }
0x81: {  	_ =	shalt  }
0x82: {  	_ =	shalt  }
0x83: {  	_ =	shalt  }
0x84: {  	_ =	shalt  }
0x85: {  	_ =	shalt  }
0x86: {  	_ =	shalt  }
0x87: {  	_ =	shalt  }
.Lfunc_end0:
.L_simem_size_0:
called_computation_lowered:
.L_overlay_start_0:
0x88: {  	s2 =	sld [smem:$0x3FD9]  }
0x89: {  	s3 =	sld [smem:$0x3FFE];
	_ =	sdelay $0x1  }
0x8a: {  	s1 =	srdreg.scid  }
0x8b: {  	s0 =	sand.u32 $0x1, s1  }
0x8c: {  	s17 =	sshll.u32 s0, $0xA;
	s2 =	sadd.s32 s3, s2  }
0x8d: {  	s2 =	sadd.s32 s2, s17  }
0x8e: {  	[smem:$0x3FC6] =	sst s2  }
0x8f: {  	_ = 	snop  }
0x90: {  	s2 =	sld [smem:$0x3FD0];
	(tm) =	ssettm $0x1  }
0x91: {  	s18 =	sld [smem:$0x3FFB];
	_ =	sdelay $0x3  }
0x92: {  	_ =	strace s18  }
0x93: {  	s3 =	sld [smem:$0x3FFC];
	_ =	sdelay $0x3  }
0x94: {  	_ =	strace s3  }
0x95: {  	s3 =	sld [smem:$0x3FFD];
	_ =	sdelay $0x3  }
0x96: {  	_ =	strace s3  }
0x97: {  	_ =	strace $0x8FFFFFFF  }
0x98: {  	s19 =	sld [smem:$0x3FDB];
	_ =	sdelay $0x1  }
0x99: {  	s4 =	simm.s32 $_scs_section_size  }
0x9a: {  	s5 =	simm.s32 $_size__tile_overlayer_lowered;
	s6 =	simm.s32 $_tile_overlayer_lowered  }
0x9b: {  	s22 =	simm.s32 $0x1BFF;
	s21 =	sshll.u32 s6, $0x1;
	s3 =	sadd.s32 s4, s19  }
0x9c: {  	s7 =	simm.s32 $0x0;
	s20 =	sshll.u32 s5, $0x1;
	s5 =	sadd.s32 s21, s3  }
0x9d: {  	[timem:s7], [sflag:s22] =	dma.local [hbm:s5], s20  }
0x9e: {  	_ =	swait.ge [sflag:s22], s20  }
0x9f: {  	s4 =	ssub.s32 $0x0, s20;
	[sflag:s22] =	ssyncset.done $0x0  }
0xa0: {  	[sflag:s22] =	ssyncadd.s32 s4;
	_ =	sdelay $0x1  }
0xa1: {  	s23 =	simm.s32 $0x1B8B  }
0xa2: {  	_ =	swait.ge [sflag:s23], $0x1  }
0xa3: {  	[sflag:s23] =	ssyncset.done $0x0  }
0xa4: {  	s25 =	simm.s32 $0x1B8E;
	s24 =	sld [smem:$0x3FFE];
	[sflag:s23] =	ssyncadd.s32 $0xFFFFFFFF  }
0xa5: {  	s26 =	simm.s32 $execute0_lowered;
	[smem:$0x3FD2] =	sst s25  }
0xa6: {  	s5 =	sshll.u32 s26, $0x1;
	_ =	strace $0x80000046;
	[dreg:$0x1] =	wrdreg $0xFFFFFFFF  }
0xa7: {  	s28 =	simm.s32 $_size_execute0_lowered;
	s3 =	sadd.s32 s3, s5;
	[dreg:$0x0] =	wrdreg $0x0  }
0xa8: {  	s5 =	sshll.u32 s28, $0x1;
	[dreg:$0x2] =	wrdreg s3  }
0xa9: {  	[dreg:$0x3] =	wrdreg s5  }
0xaa: {  	[dreg:$0x4] =	wrdreg $0xC0  }
0xab: {  	_ =	task [dreg:s7], $0x5FFFF  }
0xac: {  	[dreg:$0x1] =	wrdreg $0xFFFFFFFF  }
0xad: {  	[dreg:$0x0] =	wrdreg $0x60  }
0xae: {  	[dreg:$0x2] =	wrdreg s24  }
0xaf: {  	[dreg:$0x3] =	wrdreg s2  }
0xb0: {  	[dreg:$0x4] =	wrdreg $0x9  }
0xb1: {  	_ =	task.clear_ibuf [dreg:s7], $0x5FFFF;
	_ =	strace $0x90000046  }
0xb2: {  	s29 =	simm.s32 $0x9;
	_ =	strace $0x80000048  }
0xb3: {  	_ =	swait.ge [sflag:s29], $0x1  }
0xb4: {  	[sflag:s29] =	ssyncadd.s32 $0xFFFFFFFF  }
0xb5: {  	_ =	strace $0x90000048  }
0xb6: {  	_ =	sfence  }
0xb7: {  	s30 =	sld [smem:$0x0];
	_ =	sdelay $0x2  }
0xb8: {  	s31 =	sshll.u32 s1, $0xD;
	s1 =	sshrl.u32 s1, $0x2  }
0xb9: {  	s3 =	sand.u32 $0x4000, s31;
	s1 =	sadd.s32 s1, s30  }
0xba: {  	s0 =	sor.u32 s3, s0;
	s1 =	sshll.u32 s1, $0x11  }
0xbb: {  	s0 =	sor.u32 s1, s0  }
0xbc: {  	s0 =	sadd.s32 $0x8F2B, s0  }
0xbd: {  	[sflag:s0] =	ssyncadd.remote.s32 $0x1  }
0xbe: {  	_ =	sfence.sel $0xFFFF  }
0xbf: {  	[dreg:$0x0] =	wrdreg $0xFFFFFFFF;
	(pc) =	sbr.abs _section_cstart, $3  }
0xc0: {  	[dreg:$0x1] =	wrdreg $0xFFFFFFFF  }
0xc1: {  	_ =	task.clear_ibuf [dreg:s7], $0x2FFFF;
	_ =	strace $0x9FFFFFFF  }
0xc2: {  	(tm) =	ssettm $0x7FFFFFFF  }
0xc3: {  	_ =	shalt  }
tec
execute0_lowered:
.L_overlay_start_1:
0x0: {  	(tag) =	ssettag $0x1  }
0x1: {  	s1 =	srdreg.scid;
	v62 =	vlaneseq.u32  }
0x2: {  	s0 =	stileid.u32;
	s4 =	sand.u32 $0x1, s1;
	v0 =	vshrl.u32 v62, $0x1  }
0x3: {  	s3 =	rddreg [dreg:$0x0];
	s29 =	sshrl.u32 s0, $0x3;
	s2 =	sshll.u32 s4, $0x1;
	v0 =	vmul.u32 $0x2, v0  }
0x4: {  	s6 =	rddreg [dreg:$0x1];
	s7 =	sor.u32 s29, s2;
	s2 =	simm.s32 $0x0  }
0x5: {  	[smem:$0x7FF] =	sst s2;
	v1 =	vadd.s32 $0x8, v0  }
0x6: {  	s1 =	rddreg [dreg:$0x2];
	v45 =	vadd.s32 $0x9, v0;
	_ =	strace $0x80000047;
	[tilespmem:$0x1FEA0] =	vst v1  }
0x7: {  	v46 =	vadd.s32 $0x18, v0;
	[tilespmem:$0x1FEB0] =	vst v45  }
0x8: {  	v47 =	vadd.s32 $0x19, v0;
	[tilespmem:$0x1FEC0] =	vst v46  }
0x9: {  	v48 =	vadd.s32 $0x28, v0;
	[tilespmem:$0x1FED0] =	vst v47  }
0xa: {  	v49 =	vadd.s32 $0x29, v0;
	[tilespmem:$0x1FEE0] =	vst v48  }
0xb: {  	v50 =	vadd.s32 $0x38, v0;
	[tilespmem:$0x1FEF0] =	vst v49  }
0xc: {  	v51 =	vadd.s32 $0x39, v0;
	[tilespmem:$0x1FF00] =	vst v50  }
0xd: {  	v52 =	vadd.s32 $0x48, v0;
	[tilespmem:$0x1FF10] =	vst v51  }
0xe: {  	v53 =	vadd.s32 $0x49, v0;
	[tilespmem:$0x1FF20] =	vst v52  }
0xf: {  	v54 =	vadd.s32 $0x58, v0;
	[tilespmem:$0x1FF30] =	vst v53  }
0x10: {  	v55 =	vadd.s32 $0x59, v0;
	[tilespmem:$0x1FF40] =	vst v54  }
0x11: {  	v56 =	vadd.s32 $0x68, v0;
	[tilespmem:$0x1FF50] =	vst v55  }
0x12: {  	s10 =	simm.s32 $0x1;
	s5 =	sand.u32 $0x7, s0;
	v57 =	vadd.s32 $0x69, v0;
	[tilespmem:$0x1FF60] =	vst v56  }
0x13: {  	s11 =	simm.s32 $0x18000;
	s12 =	simm.s32 $0x2;
	s5 =	smul.u32 $0x60, s5;
	v58 =	vadd.s32 $0x78, v0;
	[tilespmem:$0x1FF70] =	vst v57  }
0x14: {  	s13 =	simm.s32 $0xC000;
	s14 =	simm.s32 $0x18088;
	s8 =	smul.u32 $0x300000, s7;
	v0 =	vadd.s32 $0x79, v0;
	[tilespmem:$0x1FF80] =	vst v58  }
0x15: {  	s15 =	simm.s32 $0x18110;
	v59 =	vor.u32 $0x10, v62;
	s4 =	ssub.s32 $0x2, s4;
	s9 =	smul.u32 $0xC000, s7;
	[tilespmem:$0x1FF90] =	vst v0  }
0x16: {  	s16 =	simm.s32 $0x3;
	s17 =	simm.s32 $0x0;
	v60 =	vor.u32 $0x20, v62;
	s30 =	sshrl.u32 s4, $0x1;
	[tilespmem:$0x1FFA0] =	vst v59  }
0x17: {  	v63 =	vor.u32 $0x40, v62;
	s31 =	sshll.u32 s7, $0x4;
	[tilespmem:$0x1FFB0] =	vst v60;
	s8 =	sor.u32 s5, s8;
	s5 =	sor.u32 s5, s9  }
0x18: {  	v19 =	vor.u32 $0x30, v62;
	s7 =	simm.s32 $0x18008;
	[tilespmem:$0x1FFC0] =	vst v63;
	s8 =	sshrl.u32 s8, $0x3;
	s5 =	sshrl.u32 s5, $0x3  }
0x19: {  	v61 =	vimm.s32 $0x0;
	vm0 =	vcmask $0x300;
	v21 =	vor.u32 $0x50, v62;
	[tilespmem:$0x1FFE0] =	vst v19;
	s9 =	ssub.s32 s4, s30;
	s8 =	sadd.s32 s8, s3;
	s5 =	sadd.s32 s5, s3  }
0x1a: {  	v0 =	vsel vm0, $0x3, v61;
	[tilespmem:$0x1FFF0] =	vst v21;
	s3 =	sadd.s32 s6, s31;
	s6 =	smax.u32 s9, $0x1;
	s9 =	simm.s32 $0x300  }
0x1b: {  	[tilespmem:$0x1FFD0] =	vst v0;
	s4 =	sadd.s32 $0x600, s8;
	s5 =	sadd.s32 $0x180600, s5;
	s8 =	simm.s32 $0x60  }
.LBB2_1:
0x1c: {  	[tilespmem:s7], [sflag:$0x1] =	stream.linear.gather [hbm4b:s3+s2], $0x80, $0x38;
	[tilespmem:$0x19910] =	vst v63  }
0x1d: {  	_ = 	snop  }
0x1e: {  	[tilespmem:s2], [sflag:$0x2] =	stream.strided.gather [hbm4b:s4+s8], $0xC000, s9, s8, $0x38;
	[tilespmem:$0x19910] =	vst v63  }
0x1f: {  	_ =	swait.ge [sflag:s10], $0x80  }
0x20: {  	v0 =	vld [tilespmem:$0x1FEA0]  }
0x21: {  	v1 =	vld [tilespmem:$0x1FEB0];
	_ =	sdelay $0x4  }
0x22: {  	[sflag:s10] =	ssyncset.done $0x0  }
0x23: {  	[sflag:s10] =	ssyncadd.s32 $0xFFFFFF80  }
0x24: {  	v0 =	vld.idx.msk [tilespmem:v0+s11+$0x0], $0xffff  }
0x25: {  	v1 =	vld.idx.msk [tilespmem:v1+s11+$0x0], $0xffff;
	_ =	sdelay $0x4  }
0x26: {  	v0 =	vsub.s32 v1, v0  }
0x27: {  	v0 =	vcvt.s32.f32 v0;
	_ =	sdelay $0x1  }
0x28: {  	(erf) = vrcp.f32 v0;
	_ =	sdelay $0x8  }
0x29: {  	v1 =	vld [tilespmem:$0x1FED0];
	v0 =	vpop (erf)  }
0x2a: {  	[tilespmem:$0x18090] =	vst v0;
	v0 =	vld [tilespmem:$0x1FEC0];
	_ =	sdelay $0x6  }
0x2b: {  	v1 =	vld.idx.msk [tilespmem:v1+s11+$0x0], $0xffff  }
0x2c: {  	v0 =	vld.idx.msk [tilespmem:v0+s11+$0x0], $0xffff;
	_ =	sdelay $0x4  }
0x2d: {  	v0 =	vsub.s32 v1, v0  }
0x2e: {  	v0 =	vcvt.s32.f32 v0;
	_ =	sdelay $0x1  }
0x2f: {  	(erf) = vrcp.f32 v0;
	_ =	sdelay $0x8  }
0x30: {  	v1 =	vld [tilespmem:$0x1FEF0];
	v0 =	vpop (erf)  }
0x31: {  	[tilespmem:$0x180A0] =	vst v0;
	v0 =	vld [tilespmem:$0x1FEE0];
	_ =	sdelay $0x6  }
0x32: {  	v1 =	vld.idx.msk [tilespmem:v1+s11+$0x0], $0xffff  }
0x33: {  	v0 =	vld.idx.msk [tilespmem:v0+s11+$0x0], $0xffff;
	_ =	sdelay $0x4  }
0x34: {  	v0 =	vsub.s32 v1, v0  }
0x35: {  	v0 =	vcvt.s32.f32 v0;
	_ =	sdelay $0x1  }
0x36: {  	(erf) = vrcp.f32 v0;
	_ =	sdelay $0x8  }
0x37: {  	v1 =	vld [tilespmem:$0x1FF10];
	v0 =	vpop (erf)  }
0x38: {  	[tilespmem:$0x180B0] =	vst v0;
	v0 =	vld [tilespmem:$0x1FF00];
	_ =	sdelay $0x6  }
0x39: {  	v1 =	vld.idx.msk [tilespmem:v1+s11+$0x0], $0xffff  }
0x3a: {  	v0 =	vld.idx.msk [tilespmem:v0+s11+$0x0], $0xffff;
	_ =	sdelay $0x4  }
0x3b: {  	v0 =	vsub.s32 v1, v0  }
0x3c: {  	v0 =	vcvt.s32.f32 v0;
	_ =	sdelay $0x1  }
0x3d: {  	(erf) = vrcp.f32 v0;
	_ =	sdelay $0x8  }
0x3e: {  	v1 =	vld [tilespmem:$0x1FF30];
	v0 =	vpop (erf)  }
0x3f: {  	[tilespmem:$0x180C0] =	vst v0;
	v0 =	vld [tilespmem:$0x1FF20];
	_ =	sdelay $0x6  }
0x40: {  	v1 =	vld.idx.msk [tilespmem:v1+s11+$0x0], $0xffff  }
0x41: {  	v0 =	vld.idx.msk [tilespmem:v0+s11+$0x0], $0xffff;
	_ =	sdelay $0x4  }
0x42: {  	v0 =	vsub.s32 v1, v0  }
0x43: {  	v0 =	vcvt.s32.f32 v0;
	_ =	sdelay $0x1  }
0x44: {  	(erf) = vrcp.f32 v0;
	_ =	sdelay $0x8  }
0x45: {  	v1 =	vld [tilespmem:$0x1FF50];
	v0 =	vpop (erf)  }
0x46: {  	[tilespmem:$0x180D0] =	vst v0;
	v0 =	vld [tilespmem:$0x1FF40];
	_ =	sdelay $0x6  }
0x47: {  	v1 =	vld.idx.msk [tilespmem:v1+s11+$0x0], $0xffff  }
0x48: {  	v0 =	vld.idx.msk [tilespmem:v0+s11+$0x0], $0xffff;
	_ =	sdelay $0x4  }
0x49: {  	v0 =	vsub.s32 v1, v0  }
0x4a: {  	v0 =	vcvt.s32.f32 v0;
	_ =	sdelay $0x1  }
0x4b: {  	(erf) = vrcp.f32 v0;
	_ =	sdelay $0x8  }
0x4c: {  	v1 =	vld [tilespmem:$0x1FF70];
	v0 =	vpop (erf)  }
0x4d: {  	[tilespmem:$0x180E0] =	vst v0;
	v0 =	vld [tilespmem:$0x1FF60];
	_ =	sdelay $0x6  }
0x4e: {  	v1 =	vld.idx.msk [tilespmem:v1+s11+$0x0], $0xffff  }
0x4f: {  	v0 =	vld.idx.msk [tilespmem:v0+s11+$0x0], $0xffff;
	_ =	sdelay $0x4  }
0x50: {  	v0 =	vsub.s32 v1, v0  }
0x51: {  	v0 =	vcvt.s32.f32 v0;
	_ =	sdelay $0x1  }
0x52: {  	(erf) = vrcp.f32 v0;
	_ =	sdelay $0x8  }
0x53: {  	v1 =	vld [tilespmem:$0x1FF90];
	v0 =	vpop (erf)  }
0x54: {  	[tilespmem:$0x180F0] =	vst v0;
	v0 =	vld [tilespmem:$0x1FF80];
	_ =	sdelay $0x6  }
0x55: {  	v1 =	vld.idx.msk [tilespmem:v1+s11+$0x0], $0xffff  }
0x56: {  	v0 =	vld.idx.msk [tilespmem:v0+s11+$0x0], $0xffff;
	_ =	sdelay $0x4  }
0x57: {  	v0 =	vsub.s32 v1, v0  }
0x58: {  	v0 =	vcvt.s32.f32 v0;
	_ =	sdelay $0x1  }
0x59: {  	(erf) = vrcp.f32 v0;
	_ =	sdelay $0x4  }
0x5a: {  	v0 =	vmov s2  }
0x5b: {  	v0 =	vmul.u32 $0x60, v0  }
0x5c: {  	s18 =	simm.s32 $0x1;
	s25 =	simm.s32 $0x2  }
0x5d: {  	v1 =	vmov s18;
	v7 =	vbroadcast v0, $0x0;
	v0 =	vmov s25  }
0x5e: {  	v1 =	vmul.u32 $0x60, v1;
	v0 =	vmul.u32 $0x60, v0;
	v2 =	vpop (erf)  }
0x5f: {  	s26 =	simm.s32 $0x3;
	v3 =	vor.u32 v62, v7;
	[tilespmem:$0x18100] =	vst v2  }
0x60: {  	v1 =	vbroadcast v1, $0x0;
	v9 =	vbroadcast v0, $0x0;
	v0 =	vmov s26;
	_ =	swait.ge [sflag:s12], $0xC000  }
0x61: {  	v0 =	vmul.u32 $0x60, v0;
	v17 =	vld [tilespmem:$0x1FFA0]  }
0x62: {  	v4 =	vor.u32 v62, v1;
	[sflag:s12] =	ssyncset.done $0x0;
	v18 =	vld [tilespmem:$0x1FFB0]  }
0x63: {  	v12 =	vbroadcast v0, $0x0;
	[sflag:s12] =	ssyncadd.s32 $0xFFFF4000  }
0x64: {  	s28 =	simm.s32 $0x4;
	v8 =	vor.u32 v62, v9;
	v0 =	vld.idx.msk [tilespmem:v3+s2+$0x0], $0xffff  }
0x65: {  	v6 =	vimm.f32 $0.0e+00;
	s29 =	simm.s32 $0x5;
	v2 =	vmov s28;
	v11 =	vor.u32 v62, v12  }
0x66: {  	v13 =	vmov s29;
	v2 =	vmul.u32 $0x60, v2;
	v5 =	vor.u32 v17, v7  }
0x67: {  	v13 =	vmul.u32 $0x60, v13;
	[tilespmem:v3+s13+$0x0] =	vst.idx.msk $0xffff, v6;
	v3 =	vld.idx.msk [tilespmem:v4+s2+$0x0], $0xffff;
	v10 =	vor.u32 v18, v7  }
0x68: {  	v14 =	vor.u32 v19, v7;
	v2 =	vbroadcast v2, $0x0  }
0x69: {  	s30 =	simm.s32 $0x6;
	v22 =	vld.idx.msk [tilespmem:v8+s2+$0x0], $0xffff;
	v24 =	vadd.f32 v0, v6;
	v0 =	vbroadcast v13, $0x0;
	v13 =	vor.u32 v17, v1  }
0x6a: {  	v23 =	vmov s30;
	v16 =	vor.u32 v62, v2;
	v27 =	vld.idx.msk [tilespmem:v11+s2+$0x0], $0xffff  }
0x6b: {  	v23 =	vmul.u32 $0x60, v23;
	v15 =	vld.idx.msk [tilespmem:v5+s2+$0x0], $0xffff;
	[tilespmem:v5+s13+$0x0] =	vst.idx.msk $0xffff, v6;
	v5 =	vor.u32 v17, v9  }
0x6c: {  	v26 =	vor.u32 v17, v12;
	v25 =	vld.idx.msk [tilespmem:v10+s2+$0x0], $0xffff;
	[tilespmem:v10+s13+$0x0] =	vst.idx.msk $0xffff, v6;
	v10 =	vadd.f32 v3, v24  }
0x6d: {  	[tilespmem:v4+s13+$0x0] =	vst.idx.msk $0xffff, v24;
	v3 =	vbroadcast v23, $0x0;
	v23 =	vor.u32 v62, v0;
	v29 =	vld.idx.msk [tilespmem:v14+s2+$0x0], $0xffff  }
0x6e: {  	v4 =	vld.idx.msk [tilespmem:v13+s2+$0x0], $0xffff;
	[tilespmem:v8+s13+$0x0] =	vst.idx.msk $0xffff, v10;
	v10 =	vadd.f32 v22, v10  }
0x6f: {  	v8 =	vld.idx.msk [tilespmem:v16+s2+$0x0], $0xffff;
	v31 =	vor.u32 v62, v3  }
0x70: {  	v28 =	vadd.s32 v18, v1;
	v15 =	vadd.f32 v15, v6;
	v24 =	vld.idx.msk [tilespmem:v5+s2+$0x0], $0xffff;
	[tilespmem:v11+s13+$0x0] =	vst.idx.msk $0xffff, v10  }
0x71: {  	s31 =	simm.s32 $0x7;
	v32 =	vadd.s32 v19, v1;
	v10 =	vadd.f32 v27, v10;
	v27 =	vld.idx.msk [tilespmem:v26+s2+$0x0], $0xffff  }
0x72: {  	v30 =	vmov s31;
	v11 =	vor.u32 v17, v2;
	[tilespmem:v13+s13+$0x0] =	vst.idx.msk $0xffff, v15;
	v13 =	vld.idx.msk [tilespmem:v23+s2+$0x0], $0xffff  }
0x73: {  	v22 =	vmul.u32 $0x60, v30;
	v30 =	vor.u32 v17, v0;
	v25 =	vadd.f32 v25, v6;
	v20 =	vld [tilespmem:$0x1FFC0];
	[tilespmem:v14+s13+$0x0] =	vst.idx.msk $0xffff, v6  }
0x74: {  	v33 =	vor.u32 v18, v9;
	v14 =	vld.idx.msk [tilespmem:v31+s2+$0x0], $0xffff;
	[tilespmem:v16+s13+$0x0] =	vst.idx.msk $0xffff, v10  }
0x75: {  	v8 =	vadd.f32 v8, v10;
	v16 =	vld.idx.msk [tilespmem:v28+s2+$0x0], $0xffff;
	[tilespmem:v28+s13+$0x0] =	vst.idx.msk $0xffff, v25  }
0x76: {  	v36 =	vadd.s32 v18, v12;
	v10 =	vadd.f32 v4, v15;
	v28 =	vld.idx.msk [tilespmem:v32+s2+$0x0], $0xffff  }
0x77: {  	v37 =	vor.u32 v19, v9;
	v34 =	vor.u32 v17, v3;
	v38 =	vld.idx.msk [tilespmem:v11+s2+$0x0], $0xffff;
	[tilespmem:v23+s13+$0x0] =	vst.idx.msk $0xffff, v8  }
0x78: {  	v15 =	vor.u32 v18, v2;
	[tilespmem:v5+s13+$0x0] =	vst.idx.msk $0xffff, v10;
	v5 =	vadd.f32 v24, v10;
	v23 =	vld.idx.msk [tilespmem:v30+s2+$0x0], $0xffff  }
0x79: {  	v39 =	vadd.s32 v18, v0;
	v29 =	vadd.f32 v29, v6;
	v24 =	vld.idx.msk [tilespmem:v33+s2+$0x0], $0xffff;
	v8 =	vadd.f32 v13, v8  }
0x7a: {  	v27 =	vadd.f32 v27, v5;
	[tilespmem:v26+s13+$0x0] =	vst.idx.msk $0xffff, v5;
	v5 =	vbroadcast v22, $0x0;
	v35 =	vor.u32 v20, v7  }
0x7b: {  	v16 =	vadd.f32 v16, v25;
	[tilespmem:v31+s13+$0x0] =	vst.idx.msk $0xffff, v8;
	v22 =	vadd.f32 v14, v8;
	v8 =	vld.idx.msk [tilespmem:v36+s2+$0x0], $0xffff  }
0x7c: {  	v4 =	vor.u32 v21, v12;
	v10 =	vadd.s32 v20, v1;
	[tilespmem:v11+s13+$0x0] =	vst.idx.msk $0xffff, v27;
	v25 =	vld.idx.msk [tilespmem:v34+s2+$0x0], $0xffff  }
0x7d: {  	v31 =	vadd.s32 v19, v12;
	v11 =	vadd.f32 v38, v27;
	[tilespmem:v33+s13+$0x0] =	vst.idx.msk $0xffff, v16;
	v26 =	vld.idx.msk [tilespmem:v15+s2+$0x0], $0xffff  }
0x7e: {  	[tilespmem:v32+s13+$0x0] =	vst.idx.msk $0xffff, v29;
	v57 =	vor.u32 v62, v5;
	v58 =	vld.idx.msk [tilespmem:v37+s2+$0x0], $0xffff;
	v16 =	vadd.f32 v24, v16  }
0x7f: {  	v13 =	vor.u32 v18, v3;
	v24 =	vadd.f32 v28, v29;
	[tilespmem:v30+s13+$0x0] =	vst.idx.msk $0xffff, v11;
	v40 =	vld.idx.msk [tilespmem:v35+s2+$0x0], $0xffff  }
0x80: {  	v1 =	vadd.s32 v21, v1;
	v14 =	vadd.s32 v20, v9;
	v30 =	vld.idx.msk [tilespmem:v39+s2+$0x0], $0xffff;
	[tilespmem:v36+s13+$0x0] =	vst.idx.msk $0xffff, v16  }
0x81: {  	v41 =	vor.u32 v17, v5;
	v11 =	vadd.f32 v23, v11;
	v28 =	vld.idx.msk [tilespmem:v10+s2+$0x0], $0xffff;
	[tilespmem:v37+s13+$0x0] =	vst.idx.msk $0xffff, v24  }
0x82: {  	v42 =	vadd.s32 v18, v5;
	v27 =	vor.u32 v19, v2;
	[tilespmem:v35+s13+$0x0] =	vst.idx.msk $0xffff, v6;
	v60 =	vld.idx.msk [tilespmem:v31+s2+$0x0], $0xffff  }
0x83: {  	v23 =	vor.u32 v20, v12;
	[tilespmem:v34+s13+$0x0] =	vst.idx.msk $0xffff, v11;
	v8 =	vadd.f32 v8, v16;
	v43 =	vld.idx.msk [tilespmem:v57+s2+$0x0], $0xffff  }
0x84: {  	v12 =	vor.u32 v19, v3;
	[tilespmem:v57+s13+$0x0] =	vst.idx.msk $0xffff, v22;
	v11 =	vadd.f32 v25, v11;
	v59 =	vld.idx.msk [tilespmem:v13+s2+$0x0], $0xffff  }
0x85: {  	v63 =	vld.idx.msk [tilespmem:v14+s2+$0x0], $0xffff;
	v25 =	vadd.s32 v19, v0;
	v16 =	vadd.f32 v26, v8;
	[tilespmem:v15+s13+$0x0] =	vst.idx.msk $0xffff, v8  }
0x86: {  	v61 =	vadd.f32 v58, v24;
	v15 =	vld.idx.msk [tilespmem:v41+s2+$0x0], $0xffff;
	v24 =	vor.u32 v21, v7;
	[tilespmem:v41+s13+$0x0] =	vst.idx.msk $0xffff, v11  }
0x87: {  	v32 =	vld.idx.msk [tilespmem:v27+s2+$0x0], $0xffff;
	v29 =	vadd.f32 v40, v6;
	v30 =	vadd.f32 v30, v16;
	[tilespmem:v39+s13+$0x0] =	vst.idx.msk $0xffff, v16  }
0x88: {  	v8 =	vadd.s32 v19, v5;
	v26 =	vor.u32 v20, v2;
	v34 =	vld.idx.msk [tilespmem:v42+s2+$0x0], $0xffff;
	[tilespmem:v31+s13+$0x0] =	vst.idx.msk $0xffff, v61  }
0x89: {  	v16 =	vadd.s32 v21, v9;
	v31 =	vld.idx.msk [tilespmem:v23+s2+$0x0], $0xffff;
	v33 =	vadd.f32 v28, v29;
	v9 =	vadd.f32 v59, v30  }
0x8a: {  	v35 =	vadd.f32 v60, v61;
	v22 =	vadd.f32 v43, v22;
	v7 =	vld.idx.msk [tilespmem:v25+s2+$0x0], $0xffff;
	[tilespmem:v13+s13+$0x0] =	vst.idx.msk $0xffff, v30  }
0x8b: {  	s20 =	simm.s32 $0x8;
	s19 =	simm.s32 $0x0;
	v28 =	vadd.s32 v20, v0;
	v13 =	vld.idx.msk [tilespmem:v12+s2+$0x0], $0xffff;
	v30 =	vadd.f32 v63, v33;
	[tilespmem:v42+s13+$0x0] =	vst.idx.msk $0xffff, v9  }
.LBB2_2:
0x8c: {  	v37 =	vld.idx.msk [tilespmem:v24+s19+$0x0], $0xffff  }
0x8d: {  	v20 =	vld [tilespmem:$0x1FFC0];
	[tilespmem:v14+s13+$0x0] =	vst.idx.msk $0xffff, v33  }
0x8e: {  	[tilespmem:v10+s13+$0x0] =	vst.idx.msk $0xffff, v29;
	v17 =	vld [tilespmem:$0x1FFA0]  }
0x8f: {  	v36 =	vmov s20;
	s18 =	sadd.s32 $0x1, s20;
	s21 =	sadd.s32 $0x2, s20;
	v45 =	vadd.s32 v21, v3;
	[tilespmem:v27+s13+$0x0] =	vst.idx.msk $0xffff, v35;
	v27 =	vadd.s32 v21, v0;
	v60 =	vld.idx.msk [tilespmem:v1+s19+$0x0], $0xffff  }
0x90: {  	v18 =	vld [tilespmem:$0x1FFB0];
	v38 =	vmov s18;
	v39 =	vmov s21;
	[tilespmem:v23+s13+$0x0] =	vst.idx.msk $0xffff, v30;
	v23 =	vor.u32 v21, v2  }
0x91: {  	v29 =	vld.idx.msk [tilespmem:v16+s19+$0x0], $0xffff;
	v14 =	vadd.f32 v32, v35;
	v10 =	vadd.f32 v34, v9;
	v9 =	vmul.u32 $0x60, v36  }
0x92: {  	[tilespmem:v24+s13+$0x0] =	vst.idx.msk $0xffff, v6;
	v56 =	vld.idx.msk [tilespmem:v26+s19+$0x0], $0xffff;
	v57 =	vmul.u32 $0x60, v38;
	v58 =	vmul.u32 $0x60, v39;
	v6 =	vadd.f32 v37, v6  }
0x93: {  	s28 =	smov.u32 s20;
	v0 =	vadd.s32 v20, v3;
	[tilespmem:v25+s13+$0x0] =	vst.idx.msk $0xffff, v14;
	v25 =	vadd.f32 v7, v14;
	v9 =	vbroadcast v9, $0x0  }
0x94: {  	s29 =	sadd.s32 $0x3, s28;
	v7 =	vbroadcast v58, $0x0;
	v14 =	vbroadcast v57, $0x0;
	v36 =	vadd.f32 v60, v6  }
0x95: {  	v63 =	vld.idx.msk [tilespmem:v4+s19+$0x0], $0xffff;
	v44 =	vmov s29;
	[tilespmem:v12+s13+$0x0] =	vst.idx.msk $0xffff, v25;
	v12 =	vadd.f32 v31, v30;
	v30 =	vor.u32 v62, v9  }
0x96: {  	v2 =	vld.idx.msk [tilespmem:v28+s19+$0x0], $0xffff;
	v31 =	vor.u32 v62, v14;
	v3 =	vor.u32 v17, v9;
	v46 =	vor.u32 v62, v7  }
0x97: {  	s22 =	sadd.s32 $0x4, s20;
	v35 =	vmul.u32 $0x60, v44;
	v48 =	vor.u32 v18, v9;
	[tilespmem:v26+s13+$0x0] =	vst.idx.msk $0xffff, v12;
	v26 =	vadd.f32 v56, v12  }
0x98: {  	v59 =	vmov s22;
	v38 =	vor.u32 v17, v7;
	[tilespmem:v16+s13+$0x0] =	vst.idx.msk $0xffff, v36;
	v16 =	vadd.f32 v29, v36;
	v24 =	vld.idx.msk [tilespmem:v0+s19+$0x0], $0xffff  }
0x99: {  	v61 =	vmul.u32 $0x60, v59;
	v13 =	vadd.f32 v13, v25;
	v12 =	vbroadcast v35, $0x0;
	v47 =	vld.idx.msk [tilespmem:v23+s19+$0x0], $0xffff;
	[tilespmem:v28+s13+$0x0] =	vst.idx.msk $0xffff, v26  }
0x9a: {  	s18 =	simm.s32 $0x0;
	s30 =	sadd.s32 $0x5, s28;
	v25 =	vadd.s32 v18, v14;
	v34 =	vadd.f32 v63, v16;
	[tilespmem:v4+s13+$0x0] =	vst.idx.msk $0xffff, v16;
	v29 =	vld.idx.msk [tilespmem:v27+s19+$0x0], $0xffff  }
0x9b: {  	v26 =	vadd.f32 v2, v26;
	v2 =	vmov s30;
	v50 =	vor.u32 v62, v12;
	v49 =	vld.idx.msk [tilespmem:v30+s18+$0x0], $0xffff;
	[tilespmem:v30+s13+$0x0] =	vst.idx.msk $0xffff, v22  }
0x9c: {  	v4 =	vadd.f32 v15, v11;
	v40 =	vmul.u32 $0x60, v2;
	v42 =	vld.idx.msk [tilespmem:v31+s18+$0x0], $0xffff;
	v2 =	vbroadcast v61, $0x0;
	[tilespmem:v23+s13+$0x0] =	vst.idx.msk $0xffff, v34  }
0x9d: {  	v28 =	vor.u32 v21, v5;
	v5 =	vor.u32 v20, v5;
	v56 =	vld.idx.msk [tilespmem:v46+s18+$0x0], $0xffff;
	[tilespmem:v0+s13+$0x0] =	vst.idx.msk $0xffff, v26  }
0x9e: {  	v11 =	vld.idx.msk [tilespmem:v3+s18+$0x0], $0xffff;
	[tilespmem:v3+s13+$0x0] =	vst.idx.msk $0xffff, v4;
	v23 =	vor.u32 v62, v2;
	v16 =	vadd.f32 v47, v34  }
0x9f: {  	s31 =	sadd.s32 $0x6, s28;
	v15 =	vor.u32 v17, v14;
	v0 =	vbroadcast v40, $0x0;
	v57 =	vld.idx.msk [tilespmem:v48+s18+$0x0], $0xffff;
	[tilespmem:v48+s13+$0x0] =	vst.idx.msk $0xffff, v10  }
0xa0: {  	v3 =	vmov s31;
	v24 =	vadd.f32 v24, v26;
	v58 =	vld.idx.msk [tilespmem:v50+s18+$0x0], $0xffff;
	[tilespmem:v27+s13+$0x0] =	vst.idx.msk $0xffff, v16;
	v22 =	vadd.f32 v49, v22  }
0xa1: {  	v30 =	vor.u32 v19, v9;
	v3 =	vmul.u32 $0x60, v3;
	v27 =	vld.idx.msk [tilespmem:v8+s19+$0x0], $0xffff;
	[tilespmem:v8+s13+$0x0] =	vst.idx.msk $0xffff, v13  }
0xa2: {  	s21 =	sadd.s32 $0x7, s28;
	v51 =	vor.u32 v62, v0;
	v53 =	vld.idx.msk [tilespmem:v5+s19+$0x0], $0xffff;
	[tilespmem:v5+s13+$0x0] =	vst.idx.msk $0xffff, v24;
	v8 =	vadd.f32 v42, v22  }
0xa3: {  	v43 =	vmov s21;
	v63 =	vor.u32 v18, v7;
	v16 =	vadd.f32 v29, v16;
	[tilespmem:v31+s13+$0x0] =	vst.idx.msk $0xffff, v22;
	v22 =	vld.idx.msk [tilespmem:v23+s18+$0x0], $0xffff  }
0xa4: {  	v59 =	vmul.u32 $0x60, v43;
	v41 =	vld.idx.msk [tilespmem:v45+s19+$0x0], $0xffff;
	v3 =	vbroadcast v3, $0x0;
	[tilespmem:v46+s13+$0x0] =	vst.idx.msk $0xffff, v8;
	v8 =	vadd.f32 v56, v8  }
0xa5: {  	v40 =	vor.u32 v17, v12;
	v11 =	vadd.f32 v11, v4;
	[tilespmem:v45+s13+$0x0] =	vst.idx.msk $0xffff, v16;
	v60 =	vld.idx.msk [tilespmem:v15+s18+$0x0], $0xffff  }
0xa6: {  	v4 =	vld.idx.msk [tilespmem:v30+s18+$0x0], $0xffff;
	v29 =	vor.u32 v62, v3;
	[tilespmem:v50+s13+$0x0] =	vst.idx.msk $0xffff, v8;
	v8 =	vadd.f32 v58, v8  }
0xa7: {  	[tilespmem:v15+s13+$0x0] =	vst.idx.msk $0xffff, v11;
	v44 =	vld.idx.msk [tilespmem:v51+s18+$0x0], $0xffff;
	v13 =	vadd.f32 v27, v13;
	v27 =	vor.u32 v17, v2  }
0xa8: {  	v31 =	vor.u32 v17, v0;
	v26 =	vld.idx.msk [tilespmem:v38+s18+$0x0], $0xffff;
	[tilespmem:v23+s13+$0x0] =	vst.idx.msk $0xffff, v8;
	v8 =	vadd.f32 v22, v8  }
0xa9: {  	v54 =	vadd.s32 v18, v12;
	v55 =	vld.idx.msk [tilespmem:v25+s18+$0x0], $0xffff;
	[tilespmem:v30+s13+$0x0] =	vst.idx.msk $0xffff, v13;
	v23 =	vadd.f32 v57, v10  }
0xaa: {  	v45 =	vor.u32 v20, v9;
	v15 =	vld.idx.msk [tilespmem:v40+s18+$0x0], $0xffff;
	v5 =	vadd.f32 v60, v11;
	[tilespmem:v51+s13+$0x0] =	vst.idx.msk $0xffff, v8  }
0xab: {  	v61 =	vadd.s32 v19, v14;
	v47 =	vor.u32 v18, v2;
	v22 =	vld.idx.msk [tilespmem:v29+s18+$0x0], $0xffff;
	[tilespmem:v25+s13+$0x0] =	vst.idx.msk $0xffff, v23  }
0xac: {  	v48 =	vadd.s32 v18, v0;
	v46 =	vld.idx.msk [tilespmem:v27+s18+$0x0], $0xffff;
	[tilespmem:v38+s13+$0x0] =	vst.idx.msk $0xffff, v5;
	v8 =	vadd.f32 v44, v8  }
0xad: {  	v52 =	vor.u32 v17, v3;
	v5 =	vadd.f32 v26, v5;
	v11 =	vld.idx.msk [tilespmem:v31+s18+$0x0], $0xffff;
	[tilespmem:v1+s13+$0x0] =	vst.idx.msk $0xffff, v6  }
0xae: {  	v13 =	vadd.f32 v4, v13;
	v6 =	vadd.f32 v41, v16;
	v16 =	vld.idx.msk [tilespmem:v28+s19+$0x0], $0xffff;
	s19 =	smov.u32 s18;
	[tilespmem:v29+s13+$0x0] =	vst.idx.msk $0xffff, v8  }
0xaf: {  	v24 =	vadd.f32 v53, v24;
	v30 =	vor.u32 v19, v7;
	v57 =	vld.idx.msk [tilespmem:v45+s19+$0x0], $0xffff;
	[tilespmem:v40+s13+$0x0] =	vst.idx.msk $0xffff, v5  }
0xb0: {  	v10 =	vadd.s32 v20, v14;
	v1 =	vadd.s32 v21, v14;
	v26 =	vld.idx.msk [tilespmem:v61+s19+$0x0], $0xffff;
	[tilespmem:v61+s13+$0x0] =	vst.idx.msk $0xffff, v13  }
0xb1: {  	v25 =	vld.idx.msk [tilespmem:v63+s19+$0x0], $0xffff;
	v14 =	vadd.f32 v15, v5;
	v5 =	vbroadcast v59, $0x0;
	[tilespmem:v45+s13+$0x0] =	vst.idx.msk $0xffff, v24  }
0xb2: {  	[tilespmem:v28+s13+$0x0] =	vst.idx.msk $0xffff, v6;
	v22 =	vadd.f32 v22, v8;
	v8 =	vadd.f32 v55, v23;
	v15 =	vld.idx.msk [tilespmem:v52+s19+$0x0], $0xffff  }
0xb3: {  	v23 =	vld.idx.msk [tilespmem:v54+s19+$0x0], $0xffff;
	[tilespmem:v27+s13+$0x0] =	vst.idx.msk $0xffff, v14;
	v58 =	vor.u32 v62, v5;
	v27 =	vadd.f32 v46, v14  }
0xb4: {  	v56 =	vor.u32 v18, v3;
	v28 =	vadd.s32 v19, v12;
	[tilespmem:v63+s13+$0x0] =	vst.idx.msk $0xffff, v8;
	v29 =	vld.idx.msk [tilespmem:v47+s19+$0x0], $0xffff  }
0xb5: {  	v14 =	vadd.s32 v20, v7;
	v6 =	vadd.f32 v16, v6;
	v16 =	vld.idx.msk [tilespmem:v30+s19+$0x0], $0xffff;
	v11 =	vadd.f32 v11, v27  }
0xb6: {  	[tilespmem:v31+s13+$0x0] =	vst.idx.msk $0xffff, v27;
	v8 =	vadd.f32 v25, v8;
	v13 =	vadd.f32 v26, v13;
	v26 =	vld.idx.msk [tilespmem:v10+s19+$0x0], $0xffff  }
0xb7: {  	v4 =	vor.u32 v21, v12;
	v59 =	vor.u32 v17, v5;
	v31 =	vld.idx.msk [tilespmem:v48+s19+$0x0], $0xffff;
	[tilespmem:v52+s13+$0x0] =	vst.idx.msk $0xffff, v11  }
0xb8: {  	v61 =	vadd.s32 v18, v5;
	v27 =	vor.u32 v19, v2;
	[tilespmem:v54+s13+$0x0] =	vst.idx.msk $0xffff, v8;
	v63 =	vld.idx.msk [tilespmem:v58+s19+$0x0], $0xffff  }
0xb9: {  	v25 =	vadd.s32 v19, v0;
	[tilespmem:v30+s13+$0x0] =	vst.idx.msk $0xffff, v13;
	v8 =	vadd.f32 v23, v8;
	v60 =	vld.idx.msk [tilespmem:v56+s19+$0x0], $0xffff  }
0xba: {  	v11 =	vadd.f32 v15, v11;
	v23 =	vor.u32 v20, v12;
	[tilespmem:v58+s13+$0x0] =	vst.idx.msk $0xffff, v22;
	v30 =	vld.idx.msk [tilespmem:v28+s19+$0x0], $0xffff  }
0xbb: {  	v38 =	vld.idx.msk [tilespmem:v14+s19+$0x0], $0xffff;
	v13 =	vadd.f32 v16, v13;
	v16 =	vadd.f32 v29, v8;
	[tilespmem:v47+s13+$0x0] =	vst.idx.msk $0xffff, v8  }
0xbc: {  	p0 =	slt.u32 s20, $0x1F8;
	v12 =	vor.u32 v19, v3;
	v15 =	vld.idx.msk [tilespmem:v59+s19+$0x0], $0xffff;
	v29 =	vadd.f32 v57, v24;
	[tilespmem:v59+s13+$0x0] =	vst.idx.msk $0xffff, v11  }
.Ltmp0:
0xbd: {  	v24 =	vor.u32 v21, v9;
	v32 =	vld.idx.msk [tilespmem:v27+s19+$0x0], $0xffff;
	v9 =	vadd.f32 v31, v16;
	[tilespmem:v48+s13+$0x0] =	vst.idx.msk $0xffff, v16;
	(pc) =	sbr.rel @p0 .LBB2_2-.Ltmp0, $4  }
0xbe: {  	v8 =	vadd.s32 v19, v5;
	v34 =	vld.idx.msk [tilespmem:v61+s19+$0x0], $0xffff;
	v33 =	vadd.f32 v26, v29;
	[tilespmem:v28+s13+$0x0] =	vst.idx.msk $0xffff, v13  }
0xbf: {  	v16 =	vadd.s32 v21, v7;
	v7 =	vld.idx.msk [tilespmem:v25+s19+$0x0], $0xffff;
	[tilespmem:v56+s13+$0x0] =	vst.idx.msk $0xffff, v9;
	v9 =	vadd.f32 v60, v9  }
0xc0: {  	v26 =	vor.u32 v20, v2;
	v28 =	vadd.s32 v20, v0;
	v22 =	vadd.f32 v63, v22;
	v31 =	vld.idx.msk [tilespmem:v23+s19+$0x0], $0xffff  }
0xc1: {  	s20 =	sadd.s32 $0x8, s20;
	s21 =	simm.s32 $0xF;
	v35 =	vadd.f32 v30, v13;
	v30 =	vadd.f32 v38, v33;
	v13 =	vld.idx.msk [tilespmem:v12+s19+$0x0], $0xffff;
	[tilespmem:v61+s13+$0x0] =	vst.idx.msk $0xffff, v9  }
0xc2: {  	_ =	sdelay $0x3  }
0xc3: {  	v9 =	vld.idx.msk [tilespmem:v24+s19+$0x0], $0xffff;
	[tilespmem:v10+s13+$0x0] =	vst.idx.msk $0xffff, v29  }
0xc4: {  	[tilespmem:v27+s13+$0x0] =	vst.idx.msk $0xffff, v35;
	v11 =	vld.idx.msk [tilespmem:v1+s19+$0x0], $0xffff  }
0xc5: {  	[tilespmem:v14+s13+$0x0] =	vst.idx.msk $0xffff, v33;
	v14 =	vld.idx.msk [tilespmem:v26+s19+$0x0], $0xffff  }
0xc6: {  	v10 =	vadd.f32 v32, v35;
	v61 =	vld [tilespmem:$0x1FFC0]  }
0xc7: {  	[tilespmem:v23+s13+$0x0] =	vst.idx.msk $0xffff, v30  }
0xc8: {  	v22 =	vld.idx.msk [tilespmem:v16+s19+$0x0], $0xffff;
	[tilespmem:v25+s13+$0x0] =	vst.idx.msk $0xffff, v10;
	v25 =	vadd.f32 v31, v30  }
0xc9: {  	[tilespmem:v24+s13+$0x0] =	vst.idx.msk $0xffff, v6;
	v23 =	vld.idx.msk [tilespmem:v28+s19+$0x0], $0xffff;
	v9 =	vadd.f32 v9, v6  }
0xca: {  	v2 =	vor.u32 v21, v2;
	v7 =	vadd.f32 v7, v10;
	[tilespmem:v26+s13+$0x0] =	vst.idx.msk $0xffff, v25  }
0xcb: {  	v15 =	vadd.s32 v61, v3;
	v10 =	vadd.f32 v11, v9;
	v11 =	vadd.f32 v14, v25  }
0xcc: {  	[tilespmem:v12+s13+$0x0] =	vst.idx.msk $0xffff, v7  }
0xcd: {  	v12 =	vadd.f32 v22, v10;
	[tilespmem:v28+s13+$0x0] =	vst.idx.msk $0xffff, v11  }
0xce: {  	v0 =	vadd.s32 v21, v0;
	v27 =	vld.idx.msk [tilespmem:v4+s19+$0x0], $0xffff;
	v11 =	vadd.f32 v23, v11;
	[tilespmem:v16+s13+$0x0] =	vst.idx.msk $0xffff, v10  }
0xcf: {  	v14 =	vld.idx.msk [tilespmem:v2+s19+$0x0], $0xffff;
	[tilespmem:v4+s13+$0x0] =	vst.idx.msk $0xffff, v12  }
0xd0: {  	v22 =	vld.idx.msk [tilespmem:v15+s19+$0x0], $0xffff;
	[tilespmem:v15+s13+$0x0] =	vst.idx.msk $0xffff, v11  }
0xd1: {  	v3 =	vadd.s32 v21, v3;
	v63 =	vld [tilespmem:$0x1FFD0];
	_ =	sdelay $0x1  }
0xd2: {  	v6 =	vld.idx.msk [tilespmem:v0+s19+$0x0], $0xffff  }
0xd3: {  	s20 =	simm.s32 $0xE;
	v24 =	vor.u32 v21, v5;
	v23 =	vadd.f32 v27, v12;
	v15 =	vmov s21  }
0xd4: {  	v16 =	vmov s20;
	v4 =	vor.u32 v61, v5;
	v15 =	vshrl.u32 v15, $0x3  }
0xd5: {  	v12 =	vshrl.u32 v16, $0x3;
	v10 =	vld.idx.msk [tilespmem:v3+s19+$0x0], $0xffff;
	v14 =	vadd.f32 v14, v23;
	v5 =	vshll.u32 v15, v63  }
0xd6: {  	[tilespmem:v2+s13+$0x0] =	vst.idx.msk $0xffff, v23;
	v2 =	vadd.f32 v13, v7;
	v7 =	vshll.u32 v12, v63;
	v5 =	vadd.s32 $0x7, v5  }
0xd7: {  	[tilespmem:v0+s13+$0x0] =	vst.idx.msk $0xffff, v14;
	v0 =	vadd.f32 v6, v14;
	v6 =	vadd.s32 $0x6, v7;
	v5 =	vbroadcast v5, $0x0  }
0xd8: {  	[tilespmem:v1+s13+$0x0] =	vst.idx.msk $0xffff, v9;
	v6 =	vbroadcast v6, $0x0  }
0xd9: {  	[tilespmem:v8+s13+$0x0] =	vst.idx.msk $0xffff, v2;
	v2 =	vadd.f32 v22, v11  }
0xda: {  	[tilespmem:v3+s13+$0x0] =	vst.idx.msk $0xffff, v0;
	v0 =	vadd.f32 v10, v0  }
0xdb: {  	[tilespmem:v4+s13+$0x0] =	vst.idx.msk $0xffff, v2  }
0xdc: {  	[tilespmem:v24+s13+$0x0] =	vst.idx.msk $0xffff, v0  }
0xdd: {  	v0 =	vld.idx.msk [tilespmem:v5+s11+$0x0], $0xffff  }
0xde: {  	v1 =	vld.idx.msk [tilespmem:v6+s11+$0x0], $0xffff;
	_ =	sdelay $0x3  }
0xdf: {  	v0 =	vmul.u32 $0x60, v0  }
0xe0: {  	v15 =	vmul.u32 $0x60, v1  }
0xe1: {  	v1 =	vor.u32 v62, v0  }
0xe2: {  	v2 =	vor.u32 v62, v15  }
0xe3: {  	s29 =	simm.s32 $0x9;
	s30 =	simm.s32 $0xA  }
0xe4: {  	s31 =	simm.s32 $0xB;
	v3 =	vmov s29;
	v4 =	vmov s30  }
0xe5: {  	s22 =	simm.s32 $0x3;
	v3 =	vshrl.u32 v3, $0x3;
	v4 =	vshrl.u32 v4, $0x3;
	v17 =	vld [tilespmem:$0x1FFA0];
	v5 =	vmov s31  }
0xe6: {  	v4 =	vshll.u32 v4, v63;
	v5 =	vshrl.u32 v5, $0x3;
	v9 =	vld.idx.msk [tilespmem:v1+s13+$0x0], $0xffff;
	v1 =	vmov s22  }
0xe7: {  	v4 =	vadd.s32 $0x2, v4;
	v5 =	vshll.u32 v5, v63;
	v2 =	vld.idx.msk [tilespmem:v2+s13+$0x0], $0xffff;
	v10 =	vmul.u32 $0x60, v1  }
0xe8: {  	v1 =	vshll.u32 v3, v63;
	v3 =	vadd.s32 $0x3, v5;
	v5 =	vbroadcast v4, $0x0  }
0xe9: {  	s20 =	simm.s32 $0xC;
	s21 =	simm.s32 $0xD;
	v30 =	vld.idx.msk [tilespmem:v6+s14+$0x0], $0xffff;
	v4 =	vadd.s32 $0x1, v1;
	v3 =	vbroadcast v3, $0x0;
	v26 =	vbroadcast v10, $0x0  }
0xea: {  	v8 =	vmov s21;
	v7 =	vmov s20;
	v4 =	vbroadcast v4, $0x0  }
0xeb: {  	v8 =	vshrl.u32 v8, $0x3;
	v7 =	vshrl.u32 v7, $0x3;
	v10 =	vor.u32 v62, v26  }
0xec: {  	v7 =	vshll.u32 v7, v63;
	v2 =	vsub.f32 v9, v2;
	v9 =	vor.u32 v17, v0  }
0xed: {  	s23 =	simm.s32 $0x8;
	v8 =	vshll.u32 v8, v63;
	v7 =	vadd.s32 $0x4, v7;
	v11 =	vor.u32 v17, v15  }
0xee: {  	v7 =	vbroadcast v7, $0x0;
	v6 =	vmov s23;
	v12 =	vld.idx.msk [tilespmem:v5+s11+$0x0], $0xffff;
	v2 =	vmul.f32 v2, v30  }
0xef: {  	v8 =	vadd.s32 $0x5, v8;
	v6 =	vshrl.u32 v6, $0x3;
	v13 =	vld.idx.msk [tilespmem:v3+s11+$0x0], $0xffff  }
0xf0: {  	v8 =	vbroadcast v8, $0x0;
	v6 =	vshll.u32 v6, v63;
	v14 =	vld.idx.msk [tilespmem:v4+s11+$0x0], $0xffff;
	[tilespmem:v10+s15+$0x0] =	vst.idx.msk $0xffff, v2  }
0xf1: {  	v6 =	vbroadcast v6, $0x0;
	v2 =	vld.idx.msk [tilespmem:v9+s13+$0x0], $0xffff  }
0xf2: {  	v9 =	vld.idx.msk [tilespmem:v11+s13+$0x0], $0xffff  }
0xf3: {  	v18 =	vld [tilespmem:$0x1FFB0]  }
0xf4: {  	v10 =	vld.idx.msk [tilespmem:v7+s11+$0x0], $0xffff;
	v60 =	vmul.u32 $0x60, v12  }
0xf5: {  	v39 =	vmul.u32 $0x60, v13  }
0xf6: {  	v8 =	vld.idx.msk [tilespmem:v8+s11+$0x0], $0xffff;
	v12 =	vor.u32 v62, v60  }
0xf7: {  	v22 =	vor.u32 v17, v26;
	v11 =	vld.idx.msk [tilespmem:v6+s11+$0x0], $0xffff;
	v13 =	vor.u32 v62, v39  }
0xf8: {  	v43 =	vmul.u32 $0x60, v14;
	v9 =	vsub.f32 v2, v9;
	v14 =	vadd.s32 v18, v0  }
0xf9: {  	v2 =	vmul.u32 $0x60, v10;
	v10 =	vadd.s32 v18, v15  }
0xfa: {  	v50 =	vld.idx.msk [tilespmem:v5+s14+$0x0], $0xffff;
	v5 =	vmul.f32 v9, v30  }
0xfb: {  	v44 =	vmul.u32 $0x60, v8;
	v23 =	vor.u32 v62, v43;
	v9 =	vld.idx.msk [tilespmem:v12+s13+$0x0], $0xffff  }
0xfc: {  	s24 =	simm.s32 $0x1;
	v45 =	vmul.u32 $0x60, v11;
	v8 =	vor.u32 v62, v2;
	v13 =	vld.idx.msk [tilespmem:v13+s13+$0x0], $0xffff;
	[tilespmem:v22+s15+$0x0] =	vst.idx.msk $0xffff, v5  }
0xfd: {  	v11 =	vmov s24;
	v12 =	vor.u32 v62, v44;
	v14 =	vld.idx.msk [tilespmem:v14+s13+$0x0], $0xffff  }
0xfe: {  	v5 =	vmul.u32 $0x60, v11;
	v11 =	vor.u32 v62, v45;
	v22 =	vmov s18;
	v10 =	vld.idx.msk [tilespmem:v10+s13+$0x0], $0xffff  }
0xff: {  	v53 =	vld.idx.msk [tilespmem:v7+s14+$0x0], $0xffff;
	v22 =	vmul.u32 $0x60, v22  }
0x100: {  	s25 =	simm.s32 $0x2;
	v48 =	vbroadcast v5, $0x0;
	v5 =	vld.idx.msk [tilespmem:v23+s13+$0x0], $0xffff  }
0x101: {  	v23 =	vmov s25;
	v8 =	vld.idx.msk [tilespmem:v8+s13+$0x0], $0xffff;
	v20 =	vbroadcast v22, $0x0  }
0x102: {  	v22 =	vmul.u32 $0x60, v23;
	v12 =	vld.idx.msk [tilespmem:v12+s13+$0x0], $0xffff;
	v9 =	vsub.f32 v13, v9;
	v13 =	vadd.s32 v18, v26  }
0x103: {  	v23 =	vor.u32 v62, v48;
	v11 =	vld.idx.msk [tilespmem:v11+s13+$0x0], $0xffff;
	v7 =	vsub.f32 v14, v10;
	v10 =	vadd.s32 v19, v0  }
0x104: {  	v3 =	vld.idx.msk [tilespmem:v6+s14+$0x0], $0xffff;
	v1 =	vbroadcast v22, $0x0;
	v6 =	vmul.f32 v9, v50;
	v9 =	vadd.s32 v19, v15  }
0x105: {  	v7 =	vmul.f32 v7, v30  }
0x106: {  	v29 =	vmovc v26;
	v24 =	vor.u32 v17, v39;
	v26 =	vor.u32 v17, v44;
	v22 =	vor.u32 v62, v1  }
0x107: {  	v14 =	vor.u32 v62, v20;
	v8 =	vsub.f32 v12, v8;
	[tilespmem:v13+s15+$0x0] =	vst.idx.msk $0xffff, v7  }
0x108: {  	[tilespmem:v23+s15+$0x0] =	vst.idx.msk $0xffff, v6;
	v6 =	vor.u32 v17, v43;
	v5 =	vsub.f32 v5, v11;
	v10 =	vld.idx.msk [tilespmem:v10+s13+$0x0], $0xffff  }
0x109: {  	v7 =	vor.u32 v17, v45;
	v8 =	vmul.f32 v8, v53;
	v9 =	vld.idx.msk [tilespmem:v9+s13+$0x0], $0xffff  }
0x10a: {  	v25 =	vor.u32 v17, v60;
	v5 =	vmul.f32 v5, v3  }
0x10b: {  	v12 =	vor.u32 v17, v2;
	v11 =	vld.idx.msk [tilespmem:v24+s13+$0x0], $0xffff;
	[tilespmem:v22+s15+$0x0] =	vst.idx.msk $0xffff, v8  }
0x10c: {  	[tilespmem:v14+s15+$0x0] =	vst.idx.msk $0xffff, v5;
	v5 =	vld.idx.msk [tilespmem:v26+s13+$0x0], $0xffff  }
0x10d: {  	s26 =	simm.s32 $0x17;
	v26 =	vadd.s32 v19, v29;
	v6 =	vld.idx.msk [tilespmem:v6+s13+$0x0], $0xffff  }
0x10e: {  	v14 =	vmov s26;
	v7 =	vld.idx.msk [tilespmem:v7+s13+$0x0], $0xffff;
	v9 =	vsub.f32 v10, v9;
	v10 =	vadd.s32 v61, v0  }
0x10f: {  	s28 =	simm.s32 $0x16;
	v27 =	vadd.s32 v61, v15;
	v40 =	vadd.s32 v19, v44;
	v13 =	vld.idx.msk [tilespmem:v25+s13+$0x0], $0xffff;
	v14 =	vshrl.u32 v14, $0x3  }
0x110: {  	v25 =	vmov s28;
	v12 =	vld.idx.msk [tilespmem:v12+s13+$0x0], $0xffff;
	[tilespmem:$0x1FC10] =	vst v29;
	v14 =	vshll.u32 v14, v63;
	v9 =	vmul.f32 v9, v30  }
0x111: {  	v36 =	vadd.s32 v19, v60;
	v25 =	vshrl.u32 v25, $0x3;
	[tilespmem:$0x1FC20] =	vst v30;
	v14 =	vadd.s32 $0x7, v14  }
0x112: {  	v28 =	vadd.s32 v18, v2;
	v25 =	vshll.u32 v25, v63;
	v14 =	vbroadcast v14, $0x0;
	[tilespmem:v26+s15+$0x0] =	vst.idx.msk $0xffff, v9  }
0x113: {  	v25 =	vadd.s32 $0x6, v25;
	v6 =	vsub.f32 v6, v7;
	v7 =	vor.u32 v17, v20;
	v10 =	vld.idx.msk [tilespmem:v10+s13+$0x0], $0xffff  }
0x114: {  	v8 =	vadd.s32 v18, v43;
	v25 =	vbroadcast v25, $0x0;
	v11 =	vsub.f32 v11, v13;
	v13 =	vld.idx.msk [tilespmem:v27+s13+$0x0], $0xffff  }
0x115: {  	v23 =	vadd.s32 v18, v60;
	v24 =	vadd.s32 v18, v44;
	v22 =	vadd.s32 v18, v39  }
0x116: {  	s29 =	simm.s32 $0x11;
	v47 =	vmovc v29;
	v29 =	vadd.s32 v18, v45;
	v0 =	vadd.s32 v21, v0;
	v6 =	vmul.f32 v6, v3  }
0x117: {  	s19 =	simm.s32 $0x14;
	v34 =	vmovc v30;
	v30 =	vor.u32 v17, v48;
	v5 =	vsub.f32 v5, v12;
	v12 =	vmov s29  }
0x118: {  	v31 =	vmov s19;
	v12 =	vshrl.u32 v12, $0x3;
	v14 =	vld.idx.msk [tilespmem:v14+s11+$0x0], $0xffff;
	[tilespmem:v7+s15+$0x0] =	vst.idx.msk $0xffff, v6;
	v7 =	vor.u32 v61, v47  }
0x119: {  	s30 =	simm.s32 $0x12;
	v9 =	vmul.f32 v11, v50;
	v6 =	vshrl.u32 v31, $0x3;
	v31 =	vld.idx.msk [tilespmem:v8+s13+$0x0], $0xffff;
	v8 =	vsub.f32 v10, v13  }
0x11a: {  	v49 =	vld.idx.msk [tilespmem:v25+s11+$0x0], $0xffff;
	v11 =	vor.u32 v17, v1;
	v26 =	vmov s30;
	v12 =	vshll.u32 v12, v63  }
0x11b: {  	s31 =	simm.s32 $0x13;
	v26 =	vshrl.u32 v26, $0x3;
	v12 =	vadd.s32 $0x1, v12;
	v8 =	vmul.f32 v8, v34  }
0x11c: {  	v27 =	vmov s31;
	v26 =	vshll.u32 v26, v63;
	[tilespmem:v30+s15+$0x0] =	vst.idx.msk $0xffff, v9;
	v30 =	vbroadcast v12, $0x0  }
0x11d: {  	s20 =	simm.s32 $0x15;
	v5 =	vmul.f32 v5, v53;
	v27 =	vshrl.u32 v27, $0x3;
	v26 =	vadd.s32 $0x2, v26;
	v22 =	vld.idx.msk [tilespmem:v22+s13+$0x0], $0xffff;
	[tilespmem:v7+s15+$0x0] =	vst.idx.msk $0xffff, v8  }
0x11e: {  	v9 =	vmov s20;
	v26 =	vbroadcast v26, $0x0;
	v14 =	vmul.u32 $0x60, v14;
	v0 =	vld.idx.msk [tilespmem:v0+s13+$0x0], $0xffff  }
0x11f: {  	v23 =	vld.idx.msk [tilespmem:v23+s13+$0x0], $0xffff;
	v12 =	vmul.u32 $0x60, v49;
	[tilespmem:v11+s15+$0x0] =	vst.idx.msk $0xffff, v5;
	v5 =	vshrl.u32 v9, $0x3;
	v9 =	vshll.u32 v27, v63  }
0x120: {  	v33 =	vadd.s32 v61, v43;
	v11 =	vld.idx.msk [tilespmem:v29+s13+$0x0], $0xffff;
	v9 =	vadd.s32 $0x3, v9;
	v13 =	vor.u32 v62, v14  }
0x121: {  	s21 =	simm.s32 $0x10;
	v6 =	vshll.u32 v6, v63;
	v27 =	vld.idx.msk [tilespmem:v28+s13+$0x0], $0xffff;
	v28 =	vor.u32 v62, v12;
	v9 =	vbroadcast v9, $0x0  }
0x122: {  	v10 =	vmov s21;
	v5 =	vshll.u32 v5, v63;
	v6 =	vadd.s32 $0x4, v6;
	v29 =	vld.idx.msk [tilespmem:v30+s11+$0x0], $0xffff  }
0x123: {  	v24 =	vld.idx.msk [tilespmem:v24+s13+$0x0], $0xffff;
	v5 =	vadd.s32 $0x5, v5;
	v30 =	vbroadcast v6, $0x0;
	v7 =	vshrl.u32 v10, $0x3;
	[tilespmem:$0x1FBF0] =	vst v0  }
0x124: {  	s22 =	simm.s32 $0x7;
	v37 =	vadd.s32 v19, v45;
	v8 =	vbroadcast v5, $0x0;
	v0 =	vshll.u32 v7, v63;
	v51 =	vld.idx.msk [tilespmem:v26+s11+$0x0], $0xffff  }
0x125: {  	v35 =	vadd.s32 v61, v45;
	v5 =	vmov s22;
	v52 =	vbroadcast v0, $0x0;
	v0 =	vld.idx.msk [tilespmem:v13+s13+$0x0], $0xffff  }
0x126: {  	s23 =	simm.s32 $0x4;
	v46 =	vor.u32 v18, v20;
	v15 =	vadd.s32 v21, v15;
	v5 =	vmul.u32 $0x60, v5;
	v13 =	vld.idx.msk [tilespmem:v28+s13+$0x0], $0xffff  }
0x127: {  	v22 =	vsub.f32 v22, v23;
	v6 =	vmul.u32 $0x60, v29;
	v7 =	vmov s23;
	v9 =	vld.idx.msk [tilespmem:v9+s11+$0x0], $0xffff  }
0x128: {  	v42 =	vor.u32 v17, v14;
	v58 =	vbroadcast v5, $0x0;
	v28 =	vmul.u32 $0x60, v7;
	v7 =	vld.idx.msk [tilespmem:v25+s14+$0x0], $0xffff;
	[tilespmem:$0x1FBB0] =	vst v39  }
0x129: {  	v11 =	vsub.f32 v31, v11;
	v22 =	vmul.f32 v22, v50;
	v55 =	vor.u32 v62, v6;
	v54 =	vld.idx.msk [tilespmem:v30+s11+$0x0], $0xffff  }
0x12a: {  	s24 =	simm.s32 $0x5;
	v29 =	vadd.s32 v19, v39;
	v5 =	vmov v39;
	v39 =	vor.u32 v62, v58;
	v38 =	vld.idx.msk [tilespmem:v8+s11+$0x0], $0xffff  }
0x12b: {  	v57 =	vmov s24;
	v24 =	vsub.f32 v24, v27;
	v13 =	vsub.f32 v0, v13;
	v41 =	vld.idx.msk [tilespmem:v52+s11+$0x0], $0xffff;
	[tilespmem:$0x1FD20] =	vst v20  }
0x12c: {  	v16 =	vmovc v1;
	v49 =	vmul.f32 v11, v3;
	v10 =	vmul.u32 $0x60, v51;
	v1 =	vld.idx.msk [tilespmem:v26+s14+$0x0], $0xffff;
	v26 =	vor.u32 v17, v12  }
0x12d: {  	v25 =	vadd.s32 v19, v43;
	v8 =	vmul.u32 $0x60, v9;
	v59 =	vld.idx.msk [tilespmem:v30+s14+$0x0], $0xffff;
	v13 =	vmul.f32 v13, v7  }
0x12e: {  	s25 =	simm.s32 $0x6;
	v24 =	vmul.f32 v24, v53;
	v9 =	vmul.u32 $0x60, v54;
	v31 =	vor.u32 v62, v10;
	v32 =	vld.idx.msk [tilespmem:v55+s13+$0x0], $0xffff;
	[tilespmem:$0x1FC90] =	vst v3  }
0x12f: {  	v51 =	vmov s25;
	v11 =	vmul.u32 $0x60, v38;
	v47 =	vor.u32 v62, v8;
	v52 =	vld.idx.msk [tilespmem:v52+s14+$0x0], $0xffff;
	[tilespmem:v39+s15+$0x0] =	vst.idx.msk $0xffff, v13  }
0x130: {  	v56 =	vbroadcast v28, $0x0;
	v28 =	vor.u32 v18, v16;
	v38 =	vor.u32 v62, v9;
	v39 =	vld.idx.msk [tilespmem:v42+s13+$0x0], $0xffff  }
0x131: {  	v34 =	vmul.u32 $0x60, v57;
	[tilespmem:v46+s15+$0x0] =	vst.idx.msk $0xffff, v49;
	v46 =	vor.u32 v62, v11;
	v13 =	vmul.u32 $0x60, v41;
	v26 =	vld.idx.msk [tilespmem:v26+s13+$0x0], $0xffff  }
0x132: {  	v25 =	vld.idx.msk [tilespmem:v25+s13+$0x0], $0xffff;
	v41 =	vmul.u32 $0x60, v51;
	v51 =	vmov v48;
	[tilespmem:$0x1FDF0] =	vst v48;
	v48 =	vadd.s32 v18, v48  }
0x133: {  	v0 =	vmovc v3;
	v3 =	vadd.s32 v61, v5;
	v5 =	vbroadcast v34, $0x0;
	v31 =	vld.idx.msk [tilespmem:v31+s13+$0x0], $0xffff;
	v49 =	vor.u32 v62, v13  }
0x134: {  	v54 =	vadd.s32 v18, v12;
	v30 =	vadd.s32 v19, v2;
	v23 =	vld.idx.msk [tilespmem:v47+s13+$0x0], $0xffff;
	[tilespmem:$0x1FE10] =	vst v16  }
0x135: {  	v57 =	vor.u32 v62, v5;
	v34 =	vld.idx.msk [tilespmem:v38+s13+$0x0], $0xffff;
	v38 =	vor.u32 v17, v58;
	[tilespmem:$0x1FCA0] =	vst v50  }
0x136: {  	v42 =	vor.u32 v17, v8;
	v37 =	vld.idx.msk [tilespmem:v37+s13+$0x0], $0xffff;
	v26 =	vsub.f32 v39, v26;
	v39 =	vadd.s32 v18, v14  }
0x137: {  	v55 =	vmov v16;
	v4 =	vbroadcast v41, $0x0;
	v41 =	vor.u32 v19, v20;
	v27 =	vld.idx.msk [tilespmem:v46+s13+$0x0], $0xffff;
	[tilespmem:v48+s15+$0x0] =	vst.idx.msk $0xffff, v22  }
0x138: {  	v16 =	vmov v50;
	v47 =	vor.u32 v62, v56;
	v22 =	vld.idx.msk [tilespmem:v49+s13+$0x0], $0xffff;
	[tilespmem:$0x1FCB0] =	vst v53;
	v26 =	vmul.f32 v26, v7  }
0x139: {  	v50 =	vadd.s32 v18, v11;
	v48 =	vadd.s32 v18, v8;
	v29 =	vld.idx.msk [tilespmem:v29+s13+$0x0], $0xffff;
	[tilespmem:v28+s15+$0x0] =	vst.idx.msk $0xffff, v24  }
0x13a: {  	v49 =	vor.u32 v62, v4;
	v23 =	vsub.f32 v23, v31;
	v31 =	vld.idx.msk [tilespmem:v36+s13+$0x0], $0xffff;
	[tilespmem:v38+s15+$0x0] =	vst.idx.msk $0xffff, v26  }
0x13b: {  	v24 =	vor.u32 v17, v10;
	v28 =	vor.u32 v17, v6;
	v36 =	vadd.s32 v18, v6;
	v26 =	vld.idx.msk [tilespmem:v39+s13+$0x0], $0xffff  }
0x13c: {  	v23 =	vmul.f32 v23, v1;
	v27 =	vsub.f32 v27, v34;
	v25 =	vsub.f32 v25, v37;
	v54 =	vld.idx.msk [tilespmem:v54+s13+$0x0], $0xffff  }
0x13d: {  	s26 =	simm.s32 $0x1F;
	v30 =	vld.idx.msk [tilespmem:v30+s13+$0x0], $0xffff;
	v37 =	vadd.s32 v18, v9;
	v38 =	vor.u32 v17, v11;
	v22 =	vsub.f32 v32, v22  }
0x13e: {  	v39 =	vld.idx.msk [tilespmem:v40+s13+$0x0], $0xffff;
	[tilespmem:v57+s15+$0x0] =	vst.idx.msk $0xffff, v23;
	v23 =	vmul.f32 v27, v59;
	v27 =	vor.u32 v17, v13;
	v57 =	vmov s26  }
0x13f: {  	s28 =	simm.s32 $0x1E;
	v32 =	vor.u32 v17, v9;
	v40 =	vld.idx.msk [tilespmem:v42+s13+$0x0], $0xffff;
	v46 =	vshrl.u32 v57, $0x3;
	v22 =	vmul.f32 v22, v52  }
0x140: {  	v42 =	vmov s28;
	v57 =	vadd.s32 v19, v14;
	v24 =	vld.idx.msk [tilespmem:v24+s13+$0x0], $0xffff;
	[tilespmem:v49+s15+$0x0] =	vst.idx.msk $0xffff, v23;
	v23 =	vadd.s32 v18, v58  }
0x141: {  	[tilespmem:v47+s15+$0x0] =	vst.idx.msk $0xffff, v22;
	v22 =	vsub.f32 v26, v54;
	v26 =	vshll.u32 v46, v63;
	v54 =	vshrl.u32 v42, $0x3  }
0x142: {  	v29 =	vsub.f32 v29, v31;
	v34 =	vshll.u32 v54, v63;
	v26 =	vadd.s32 $0x7, v26;
	v28 =	vld.idx.msk [tilespmem:v28+s13+$0x0], $0xffff  }
0x143: {  	v42 =	vadd.s32 v19, v12;
	v27 =	vld.idx.msk [tilespmem:v27+s13+$0x0], $0xffff;
	v34 =	vadd.s32 $0x6, v34;
	v26 =	vbroadcast v26, $0x0  }
0x144: {  	v49 =	vadd.s32 v18, v10;
	v38 =	vld.idx.msk [tilespmem:v38+s13+$0x0], $0xffff;
	v22 =	vmul.f32 v22, v7;
	v34 =	vbroadcast v34, $0x0  }
0x145: {  	v31 =	vadd.s32 v19, v51;
	v51 =	vor.u32 v17, v5;
	v29 =	vmul.f32 v29, v16;
	v32 =	vld.idx.msk [tilespmem:v32+s13+$0x0], $0xffff  }
0x146: {  	v15 =	vld.idx.msk [tilespmem:v15+s13+$0x0], $0xffff;
	v30 =	vsub.f32 v39, v30;
	[tilespmem:v23+s15+$0x0] =	vst.idx.msk $0xffff, v22;
	v23 =	vmul.f32 v25, v0  }
0x147: {  	v39 =	vor.u32 v17, v56;
	v24 =	vsub.f32 v40, v24;
	v46 =	vld.idx.msk [tilespmem:v57+s13+$0x0], $0xffff;
	[tilespmem:$0x1FD50] =	vst v5  }
0x148: {  	s29 =	simm.s32 $0x1A;
	s31 =	simm.s32 $0x1B;
	v22 =	vadd.s32 v18, v13;
	v40 =	vld.idx.msk [tilespmem:v42+s13+$0x0], $0xffff;
	v27 =	vsub.f32 v28, v27;
	[tilespmem:v41+s15+$0x0] =	vst.idx.msk $0xffff, v23  }
0x149: {  	v28 =	vmul.f32 v24, v1;
	v23 =	vmov s29;
	v42 =	vmov s31;
	v26 =	vld.idx.msk [tilespmem:v26+s11+$0x0], $0xffff;
	[tilespmem:$0x1FCC0] =	vst v1  }
0x14a: {  	s22 =	simm.s32 $0xB;
	v24 =	vsub.f32 v38, v32;
	v54 =	vshrl.u32 v23, $0x3;
	v38 =	vshrl.u32 v42, $0x3;
	v32 =	vld.idx.msk [tilespmem:v34+s11+$0x0], $0xffff  }
0x14b: {  	s19 =	simm.s32 $0x1C;
	v42 =	vmov s22;
	v27 =	vmul.f32 v27, v52;
	v57 =	vshll.u32 v54, v63;
	v25 =	vld.idx.msk [tilespmem:v33+s13+$0x0], $0xffff;
	[tilespmem:v31+s15+$0x0] =	vst.idx.msk $0xffff, v29  }
0x14c: {  	s30 =	simm.s32 $0x19;
	v38 =	vshll.u32 v38, v63;
	v54 =	vmov s19;
	v33 =	vor.u32 v17, v4;
	v23 =	vld.idx.msk [tilespmem:v35+s13+$0x0], $0xffff;
	[tilespmem:v51+s15+$0x0] =	vst.idx.msk $0xffff, v28  }
0x14d: {  	v29 =	vmul.f32 v24, v59;
	v31 =	vmov s30;
	v35 =	vadd.s32 $0x2, v57;
	v24 =	vld.idx.msk [tilespmem:v3+s13+$0x0], $0xffff;
	[tilespmem:$0x1FCD0] =	vst v58  }
0x14e: {  	s20 =	simm.s32 $0x1D;
	v28 =	vadd.s32 v19, v58;
	v35 =	vbroadcast v35, $0x0;
	v47 =	vld.idx.msk [tilespmem:v48+s13+$0x0], $0xffff;
	[tilespmem:v39+s15+$0x0] =	vst.idx.msk $0xffff, v27;
	v3 =	vmul.u32 $0x60, v26  }
0x14f: {  	v51 =	vadd.s32 $0x3, v38;
	v57 =	vmov s20;
	v36 =	vld.idx.msk [tilespmem:v36+s13+$0x0], $0xffff;
	v0 =	vmul.u32 $0x60, v32  }
0x150: {  	v41 =	vmovc v52;
	v31 =	vshrl.u32 v31, $0x3;
	v40 =	vsub.f32 v46, v40;
	v22 =	vld.idx.msk [tilespmem:v22+s13+$0x0], $0xffff;
	v52 =	vor.u32 v62, v3  }
0x151: {  	v27 =	vadd.s32 v61, v14;
	v31 =	vshll.u32 v31, v63;
	v26 =	vld.idx.msk [tilespmem:v49+s13+$0x0], $0xffff;
	v39 =	vor.u32 v62, v0  }
0x152: {  	s21 =	simm.s32 $0x18;
	v31 =	vadd.s32 $0x1, v31;
	v32 =	vbroadcast v51, $0x0;
	[tilespmem:v33+s15+$0x0] =	vst.idx.msk $0xffff, v29;
	v33 =	vshrl.u32 v54, $0x3;
	v54 =	vld.idx.msk [tilespmem:v34+s14+$0x0], $0xffff  }
0x153: {  	v46 =	vadd.s32 v61, v12;
	v49 =	vmov s21;
	v31 =	vbroadcast v31, $0x0;
	v48 =	vld.idx.msk [tilespmem:v50+s13+$0x0], $0xffff  }
0x154: {  	v29 =	vmul.f32 v40, v7;
	v40 =	vshrl.u32 v57, $0x3;
	v33 =	vshll.u32 v33, v63;
	v50 =	vld.idx.msk [tilespmem:v35+s11+$0x0], $0xffff  }
0x155: {  	v57 =	vmul.u32 $0x60, v42;
	v40 =	vshll.u32 v40, v63;
	v33 =	vadd.s32 $0x4, v33;
	v38 =	vld.idx.msk [tilespmem:v52+s13+$0x0], $0xffff  }
0x156: {  	v49 =	vshrl.u32 v49, $0x3;
	v40 =	vadd.s32 $0x5, v40;
	v33 =	vbroadcast v33, $0x0;
	v52 =	vld.idx.msk [tilespmem:v39+s13+$0x0], $0xffff  }
0x157: {  	v42 =	vor.u32 v19, v55;
	v49 =	vshll.u32 v49, v63;
	v37 =	vld.idx.msk [tilespmem:v37+s13+$0x0], $0xffff;
	v51 =	vbroadcast v40, $0x0  }
0x158: {  	v55 =	vor.u32 v18, v56;
	[tilespmem:v28+s15+$0x0] =	vst.idx.msk $0xffff, v29;
	v49 =	vbroadcast v49, $0x0;
	v32 =	vld.idx.msk [tilespmem:v32+s11+$0x0], $0xffff;
	v39 =	vbroadcast v57, $0x0  }
0x159: {  	v29 =	vmul.f32 v30, v53;
	v30 =	vld.idx.msk [tilespmem:v27+s13+$0x0], $0xffff;
	v22 =	vsub.f32 v36, v22;
	[tilespmem:$0x1FDA0] =	vst v56  }
0x15a: {  	v27 =	vmul.u32 $0x60, v50;
	v50 =	vadd.s32 v61, v60;
	v46 =	vld.idx.msk [tilespmem:v46+s13+$0x0], $0xffff;
	v53 =	vor.u32 v62, v39  }
0x15b: {  	v20 =	vmov v56;
	v31 =	vld.idx.msk [tilespmem:v31+s11+$0x0], $0xffff;
	v38 =	vsub.f32 v38, v52;
	v52 =	vor.u32 v17, v3  }
0x15c: {  	v36 =	vor.u32 v17, v0;
	v47 =	vsub.f32 v47, v26;
	v22 =	vmul.f32 v22, v41;
	v56 =	vld.idx.msk [tilespmem:v33+s11+$0x0], $0xffff  }
0x15d: {  	[tilespmem:v42+s15+$0x0] =	vst.idx.msk $0xffff, v29;
	v29 =	vld.idx.msk [tilespmem:v51+s11+$0x0], $0xffff;
	v28 =	vmul.u32 $0x60, v32;
	v40 =	vmul.f32 v38, v54  }
0x15e: {  	s23 =	simm.s32 $0x9;
	v37 =	vsub.f32 v48, v37;
	v57 =	vld.idx.msk [tilespmem:v49+s11+$0x0], $0xffff;
	[tilespmem:v55+s15+$0x0] =	vst.idx.msk $0xffff, v22;
	v34 =	vor.u32 v62, v27  }
0x15f: {  	v42 =	vmov s23;
	v30 =	vsub.f32 v30, v46;
	v46 =	vld.idx.msk [tilespmem:v50+s13+$0x0], $0xffff;
	[tilespmem:v53+s15+$0x0] =	vst.idx.msk $0xffff, v40;
	v40 =	vor.u32 v62, v28  }
0x160: {  	v51 =	vmul.u32 $0x60, v42;
	v42 =	vor.u32 v61, v58;
	v53 =	vadd.s32 v19, v6;
	v22 =	vld.idx.msk [tilespmem:v52+s13+$0x0], $0xffff  }
0x161: {  	v50 =	vadd.s32 v18, v5;
	v26 =	vmul.u32 $0x60, v56;
	v52 =	vadd.s32 v19, v13;
	v36 =	vld.idx.msk [tilespmem:v36+s13+$0x0], $0xffff  }
0x162: {  	v47 =	vmul.f32 v47, v1;
	v16 =	vld.idx.msk [tilespmem:v35+s14+$0x0], $0xffff;
	v32 =	vmovc v59;
	v38 =	vadd.s32 v61, v44;
	v29 =	vmul.u32 $0x60, v29  }
0x163: {  	v59 =	vor.u32 v17, v39;
	v34 =	vld.idx.msk [tilespmem:v34+s13+$0x0], $0xffff;
	v30 =	vmul.f32 v30, v7;
	v48 =	vor.u32 v62, v26  }
0x164: {  	v56 =	vor.u32 v18, v4;
	v35 =	vor.u32 v62, v29;
	v58 =	vld.idx.msk [tilespmem:v40+s13+$0x0], $0xffff;
	[tilespmem:$0x1FE70] =	vst v39  }
0x165: {  	v31 =	vmul.u32 $0x60, v31;
	[tilespmem:v42+s15+$0x0] =	vst.idx.msk $0xffff, v30;
	v42 =	vbroadcast v51, $0x0;
	v51 =	vld.idx.msk [tilespmem:v53+s13+$0x0], $0xffff;
	v30 =	vmul.u32 $0x60, v57  }
0x166: {  	v22 =	vsub.f32 v22, v36;
	[tilespmem:v50+s15+$0x0] =	vst.idx.msk $0xffff, v47;
	v47 =	vld.idx.msk [tilespmem:v52+s13+$0x0], $0xffff;
	v36 =	vadd.s32 v61, v2  }
0x167: {  	v40 =	vmul.f32 v37, v32;
	v37 =	vor.u32 v62, v31;
	v52 =	vld.idx.msk [tilespmem:v38+s13+$0x0], $0xffff  }
0x168: {  	v48 =	vld.idx.msk [tilespmem:v48+s13+$0x0], $0xffff;
	v50 =	vor.u32 v62, v42;
	v38 =	vor.u32 v62, v30;
	v22 =	vmul.f32 v22, v54  }
0x169: {  	s24 =	simm.s32 $0xA;
	v35 =	vld.idx.msk [tilespmem:v35+s13+$0x0], $0xffff;
	[tilespmem:v56+s15+$0x0] =	vst.idx.msk $0xffff, v40;
	v34 =	vsub.f32 v58, v34  }
0x16a: {  	v57 =	vmov s24;
	v56 =	vld.idx.msk [tilespmem:v33+s14+$0x0], $0xffff;
	[tilespmem:v59+s15+$0x0] =	vst.idx.msk $0xffff, v22;
	v22 =	vor.u32 v19, v20  }
0x16b: {  	v53 =	vmul.u32 $0x60, v57;
	v47 =	vsub.f32 v51, v47;
	v36 =	vld.idx.msk [tilespmem:v36+s13+$0x0], $0xffff;
	v33 =	vmul.f32 v34, v16  }
0x16c: {  	v1 =	vadd.s32 v21, v43;
	v34 =	vld.idx.msk [tilespmem:v37+s13+$0x0], $0xffff  }
0x16d: {  	v40 =	vbroadcast v53, $0x0;
	v53 =	vld.idx.msk [tilespmem:v38+s13+$0x0], $0xffff;
	v47 =	vmul.f32 v47, v41;
	[tilespmem:v50+s15+$0x0] =	vst.idx.msk $0xffff, v33  }
0x16e: {  	v20 =	vmov v41;
	v41 =	vld.idx.msk [tilespmem:v49+s14+$0x0], $0xffff;
	[tilespmem:$0x1FDC0] =	vst v1  }
0x16f: {  	[tilespmem:v22+s15+$0x0] =	vst.idx.msk $0xffff, v47  }
0x170: {  	s25 =	simm.s32 $0x8;
	v14 =	vadd.s32 v21, v14;
	v1 =	vld [tilespmem:$0x1FBB0]  }
0x171: {  	v55 =	vmov s25;
	v37 =	vadd.s32 v18, v3  }
0x172: {  	v59 =	vmul.u32 $0x60, v55;
	v55 =	vadd.s32 v18, v0  }
0x173: {  	v58 =	vor.u32 v62, v40  }
0x174: {  	v12 =	vadd.s32 v21, v12;
	v35 =	vsub.f32 v35, v48  }
0x175: {  	v50 =	vadd.s32 v19, v8;
	v14 =	vld.idx.msk [tilespmem:v14+s13+$0x0], $0xffff;
	v1 =	vadd.s32 v21, v1  }
0x176: {  	v22 =	vmul.f32 v35, v56;
	v37 =	vld.idx.msk [tilespmem:v37+s13+$0x0], $0xffff;
	[tilespmem:$0x1FBC0] =	vst v1;
	v1 =	vadd.s32 v21, v60  }
0x177: {  	v55 =	vld.idx.msk [tilespmem:v55+s13+$0x0], $0xffff;
	[tilespmem:$0x1FBD0] =	vst v1  }
0x178: {  	v1 =	vadd.s32 v21, v44;
	[tilespmem:v58+s15+$0x0] =	vst.idx.msk $0xffff, v22  }
0x179: {  	v5 =	vmov v39;
	v57 =	vmov v3;
	v39 =	vbroadcast v59, $0x0;
	v3 =	vld.idx.msk [tilespmem:v12+s13+$0x0], $0xffff;
	[tilespmem:$0x1FBE0] =	vst v1  }
0x17a: {  	v48 =	vadd.s32 v19, v10;
	v1 =	vadd.s32 v21, v45;
	v44 =	vld.idx.msk [tilespmem:v50+s13+$0x0], $0xffff  }
0x17b: {  	v59 =	vor.u32 v62, v39;
	v47 =	vadd.s32 v19, v11;
	[tilespmem:$0x1FE90] =	vst v1;
	v1 =	vld [tilespmem:$0x1FBF0]  }
0x17c: {  	v38 =	vmov v4;
	v4 =	vsub.f32 v34, v53;
	_ =	sdelay $0x1  }
0x17d: {  	v4 =	vmul.f32 v4, v41  }
0x17e: {  	v51 =	vmov v10;
	v45 =	vld.idx.msk [tilespmem:v48+s13+$0x0], $0xffff  }
0x17f: {  	[tilespmem:v59+s15+$0x0] =	vst.idx.msk $0xffff, v4;
	v47 =	vld.idx.msk [tilespmem:v47+s13+$0x0], $0xffff;
	v10 =	vsub.f32 v1, v15;
	v1 =	vadd.s32 v21, v2  }
0x180: {  	[tilespmem:$0x1FC00] =	vst v1;
	v1 =	vld [tilespmem:$0x1FC10];
	_ =	sdelay $0x3  }
0x181: {  	v53 =	vadd.s32 v19, v9  }
0x182: {  	v12 =	vor.u32 v17, v28;
	v2 =	vsub.f32 v37, v55;
	v37 =	vor.u32 v21, v1;
	v1 =	vld [tilespmem:$0x1FC20]  }
0x183: {  	v58 =	vor.u32 v17, v27  }
0x184: {  	v60 =	vor.u32 v17, v30;
	v59 =	vadd.s32 v18, v5  }
0x185: {  	v15 =	vor.u32 v17, v29  }
0x186: {  	v23 =	vsub.f32 v25, v23;
	v4 =	vor.u32 v17, v31;
	v3 =	vsub.f32 v14, v3;
	v34 =	vld.idx.msk [tilespmem:v53+s13+$0x0], $0xffff  }
0x187: {  	v12 =	vld.idx.msk [tilespmem:v12+s13+$0x0], $0xffff;
	v2 =	vmul.f32 v2, v54;
	v1 =	vmul.f32 v10, v1;
	v10 =	vor.u32 v17, v26  }
0x188: {  	v25 =	vadd.s32 v61, v6;
	v5 =	vmovc v51;
	v48 =	vadd.s32 v61, v51;
	v51 =	vmov v0;
	v33 =	vld.idx.msk [tilespmem:v58+s13+$0x0], $0xffff  }
0x189: {  	v35 =	vld.idx.msk [tilespmem:v60+s13+$0x0], $0xffff;
	[tilespmem:v59+s15+$0x0] =	vst.idx.msk $0xffff, v2;
	v59 =	vadd.s32 v19, v0;
	v0 =	vmul.f32 v3, v7  }
0x18a: {  	v14 =	vld.idx.msk [tilespmem:v15+s13+$0x0], $0xffff  }
0x18b: {  	v6 =	vadd.s32 v21, v6;
	v15 =	vld.idx.msk [tilespmem:v4+s13+$0x0], $0xffff;
	[tilespmem:$0x1FE80] =	vst v0  }
0x18c: {  	v58 =	vadd.s32 v61, v13;
	v0 =	vadd.s32 v21, v8;
	v7 =	vld.idx.msk [tilespmem:v10+s13+$0x0], $0xffff;
	[tilespmem:$0x1FC30] =	vst v6  }
0x18d: {  	[tilespmem:$0x1FC40] =	vst v0;
	v6 =	vadd.s32 v21, v5  }
0x18e: {  	v0 =	vld.idx.msk [tilespmem:v25+s13+$0x0], $0xffff;
	[tilespmem:$0x1FC50] =	vst v6;
	v6 =	vadd.s32 v21, v11  }
0x18f: {  	[tilespmem:$0x1FC60] =	vst v6;
	v6 =	vadd.s32 v21, v13  }
0x190: {  	[tilespmem:$0x1FC70] =	vst v6  }
0x191: {  	v24 =	vsub.f32 v24, v46;
	v46 =	vadd.s32 v61, v8;
	v8 =	vadd.s32 v21, v9;
	v6 =	vld.idx.msk [tilespmem:v58+s13+$0x0], $0xffff  }
0x192: {  	[tilespmem:$0x1FC80] =	vst v8;
	v8 =	vld [tilespmem:$0x1FCA0];
	_ =	sdelay $0x4  }
0x193: {  	v3 =	vsub.f32 v44, v45;
	v45 =	vmul.f32 v24, v8;
	v8 =	vld [tilespmem:$0x1FCB0];
	_ =	sdelay $0x2  }
0x194: {  	v4 =	vsub.f32 v52, v36  }
0x195: {  	s18 =	simm.s32 $0xC  }
0x196: {  	v22 =	vmul.f32 v4, v8;
	v4 =	vmov s18  }
0x197: {  	v2 =	vadd.s32 v19, v57;
	v24 =	vsub.f32 v47, v34;
	v34 =	vmul.u32 $0x60, v4;
	v4 =	vld [tilespmem:$0x1FCD0];
	_ =	sdelay $0x1  }
0x198: {  	v5 =	vld [tilespmem:$0x1FC90];
	_ =	sdelay $0x2  }
0x199: {  	v2 =	vld.idx.msk [tilespmem:v2+s13+$0x0], $0xffff;
	v55 =	vor.u32 v21, v4;
	v4 =	vadd.s32 v19, v31  }
0x19a: {  	v8 =	vld.idx.msk [tilespmem:v59+s13+$0x0], $0xffff;
	[tilespmem:$0x1FCE0] =	vst v4  }
0x19b: {  	v49 =	vadd.s32 v61, v11;
	v60 =	vld [tilespmem:$0x1FCC0];
	v11 =	vmul.f32 v23, v5;
	[tilespmem:v37+s15+$0x0] =	vst.idx.msk $0xffff, v1  }
0x19c: {  	v5 =	vsub.f32 v12, v33;
	v33 =	vadd.s32 v18, v31;
	v1 =	vadd.s32 v61, v28;
	v52 =	vld [tilespmem:$0x1FD20]  }
0x19d: {  	v47 =	vsub.f32 v14, v7;
	v14 =	vadd.s32 v61, v31;
	[tilespmem:$0x1FCF0] =	vst v1;
	v1 =	vadd.s32 v21, v31;
	v31 =	vld [tilespmem:$0x1FD50];
	_ =	sdelay $0x1  }
0x19e: {  	v36 =	vadd.s32 v18, v28;
	v35 =	vsub.f32 v15, v35;
	[tilespmem:$0x1FD00] =	vst v1;
	v1 =	vadd.s32 v21, v28  }
0x19f: {  	v10 =	vadd.s32 v19, v28;
	v25 =	vsub.f32 v0, v6;
	[tilespmem:$0x1FD10] =	vst v1;
	v1 =	vadd.s32 v61, v27  }
0x1a0: {  	v0 =	vsub.f32 v2, v8;
	[tilespmem:$0x1FD30] =	vst v1;
	v1 =	vadd.s32 v21, v27;
	v2 =	vor.u32 v61, v52  }
0x1a1: {  	v13 =	vadd.s32 v19, v27;
	[tilespmem:$0x1FD40] =	vst v1;
	v1 =	vadd.s32 v61, v29;
	v15 =	vadd.s32 v19, v31  }
0x1a2: {  	v28 =	vadd.s32 v18, v27;
	v27 =	vor.u32 v19, v38;
	[tilespmem:$0x1FD60] =	vst v1;
	v1 =	vadd.s32 v21, v29  }
0x1a3: {  	[tilespmem:$0x1FD70] =	vst v1;
	v1 =	vadd.s32 v61, v30  }
0x1a4: {  	v3 =	vmul.f32 v3, v60;
	[tilespmem:$0x1FD80] =	vst v1  }
0x1a5: {  	[tilespmem:v2+s15+$0x0] =	vst.idx.msk $0xffff, v11;
	v2 =	vmul.f32 v24, v32  }
0x1a6: {  	[tilespmem:v15+s15+$0x0] =	vst.idx.msk $0xffff, v3  }
0x1a7: {  	v3 =	vadd.s32 v61, v26;
	[tilespmem:v27+s15+$0x0] =	vst.idx.msk $0xffff, v2  }
0x1a8: {  	[tilespmem:$0x1FD90] =	vst v3;
	v3 =	vadd.s32 v21, v26  }
0x1a9: {  	[tilespmem:$0x1FDB0] =	vst v3;
	v3 =	vld [tilespmem:$0x1FDC0];
	_ =	sdelay $0x7  }
0x1aa: {  	v3 =	vld.idx.msk [tilespmem:v3+s13+$0x0], $0xffff  }
0x1ab: {  	v24 =	vor.u32 v17, v42  }
0x1ac: {  	s28 =	simm.s32 $0xE;
	v50 =	vadd.s32 v18, v29  }
0x1ad: {  	v8 =	vadd.s32 v19, v29;
	v29 =	vor.u32 v17, v39;
	v11 =	vmov s28  }
0x1ae: {  	v6 =	vmul.f32 v5, v16;
	v11 =	vmul.u32 $0x60, v11  }
0x1af: {  	[tilespmem:$0x1FDD0] =	vst v3  }
0x1b0: {  	v4 =	vld [tilespmem:$0x1FDA0];
	v7 =	vbroadcast v11, $0x0;
	v11 =	vmul.f32 v35, v41;
	v3 =	vor.u32 v21, v52;
	[tilespmem:v24+s15+$0x0] =	vst.idx.msk $0xffff, v6  }
0x1b1: {  	v5 =	vor.u32 v17, v40;
	[tilespmem:$0x1FDE0] =	vst v3  }
0x1b2: {  	[tilespmem:v29+s15+$0x0] =	vst.idx.msk $0xffff, v11  }
0x1b3: {  	v3 =	vld [tilespmem:$0x1FDF0]  }
0x1b4: {  	v11 =	vmul.f32 v47, v56  }
0x1b5: {  	v58 =	vadd.s32 v18, v30  }
0x1b6: {  	v23 =	vadd.s32 v19, v30;
	v1 =	vadd.s32 v21, v30;
	v30 =	vld.idx.msk [tilespmem:v46+s13+$0x0], $0xffff;
	[tilespmem:v5+s15+$0x0] =	vst.idx.msk $0xffff, v11  }
0x1b7: {  	v37 =	vmul.f32 v0, v54;
	v0 =	vld [tilespmem:$0x1FE10]  }
0x1b8: {  	s19 =	simm.s32 $0x27;
	v27 =	vld.idx.msk [tilespmem:v48+s13+$0x0], $0xffff;
	v35 =	vadd.s32 v61, v3;
	v3 =	vadd.s32 v21, v3  }
0x1b9: {  	s26 =	simm.s32 $0xD;
	v2 =	vmov v16;
	v16 =	vmov s19;
	v47 =	vld.idx.msk [tilespmem:v36+s13+$0x0], $0xffff;
	[tilespmem:$0x1FE00] =	vst v3  }
0x1ba: {  	v44 =	vadd.s32 v61, v9;
	v9 =	vmov s26;
	v16 =	vshrl.u32 v16, $0x3;
	v48 =	vld.idx.msk [tilespmem:v28+s13+$0x0], $0xffff  }
0x1bb: {  	v53 =	vmovc v57;
	v59 =	vadd.s32 v18, v26;
	v57 =	vbroadcast v34, $0x0;
	v16 =	vshll.u32 v16, v63;
	v43 =	vld.idx.msk [tilespmem:v49+s13+$0x0], $0xffff  }
0x1bc: {  	v12 =	vmul.u32 $0x60, v9;
	v52 =	vmovc v54;
	v54 =	vadd.s32 v61, v0;
	v29 =	vld.idx.msk [tilespmem:v33+s13+$0x0], $0xffff;
	v0 =	vor.u32 v19, v39  }
0x1bd: {  	v5 =	vadd.s32 $0x7, v16;
	v49 =	vld.idx.msk [tilespmem:v58+s13+$0x0], $0xffff;
	[tilespmem:$0x1FE20] =	vst v0;
	v0 =	vor.u32 v62, v57  }
0x1be: {  	v9 =	vbroadcast v12, $0x0;
	v34 =	vbroadcast v5, $0x0;
	v5 =	vadd.s32 v61, v38;
	[tilespmem:$0x1FE30] =	vst v0  }
0x1bf: {  	v46 =	vld.idx.msk [tilespmem:v50+s13+$0x0], $0xffff;
	[tilespmem:$0x1FE40] =	vst v5  }
0x1c0: {  	v5 =	vor.u32 v62, v9;
	[tilespmem:v35+s15+$0x0] =	vst.idx.msk $0xffff, v45  }
0x1c1: {  	v50 =	vld.idx.msk [tilespmem:v59+s13+$0x0], $0xffff;
	[tilespmem:$0x1FE50] =	vst v5;
	v5 =	vor.u32 v62, v7  }
0x1c2: {  	[tilespmem:$0x1FE60] =	vst v5  }
0x1c3: {  	[tilespmem:v54+s15+$0x0] =	vst.idx.msk $0xffff, v22  }
0x1c4: {  	v5 =	vld [tilespmem:$0x1FE70];
	_ =	sdelay $0x4  }
0x1c5: {  	v33 =	vor.u32 v18, v39;
	v3 =	vmovc v39;
	v39 =	vmov v5;
	v59 =	vadd.s32 v19, v5;
	v5 =	vld [tilespmem:$0x1FE80];
	_ =	sdelay $0x4  }
0x1c6: {  	s29 =	simm.s32 $0x26;
	[tilespmem:v55+s15+$0x0] =	vst.idx.msk $0xffff, v5  }
0x1c7: {  	v24 =	vmov s29;
	v5 =	vld [tilespmem:$0x1FE90]  }
0x1c8: {  	v24 =	vshrl.u32 v24, $0x3  }
0x1c9: {  	v24 =	vshll.u32 v24, v63  }
0x1ca: {  	v11 =	vadd.s32 $0x6, v24  }
0x1cb: {  	s30 =	simm.s32 $0x21;
	v15 =	vadd.s32 v19, v26  }
0x1cc: {  	v26 =	vadd.s32 v18, v42;
	v36 =	vmov s30;
	v16 =	vmovc v53;
	v53 =	vbroadcast v11, $0x0  }
0x1cd: {  	s31 =	simm.s32 $0x22;
	v24 =	vmovc v7;
	v11 =	vmovc v31;
	v31 =	vor.u32 v61, v4;
	v21 =	vmov v41;
	v28 =	vor.u32 v18, v40  }
0x1ce: {  	s23 =	simm.s32 $0x23;
	s24 =	simm.s32 $0x24;
	v41 =	vmovc v40;
	v18 =	vmovc v42;
	v58 =	vadd.s32 v61, v16;
	v0 =	vadd.s32 v61, v11;
	v35 =	vmov s31;
	v44 =	vld.idx.msk [tilespmem:v44+s13+$0x0], $0xffff  }
0x1cf: {  	s22 =	simm.s32 $0x20;
	s20 =	simm.s32 $0x10;
	s21 =	simm.s32 $0x25;
	v42 =	vmovc v9;
	v22 =	vadd.s32 v61, v51;
	v61 =	vmov s24;
	v19 =	vmovc v56;
	v56 =	vmov s23;
	v45 =	vld.idx.msk [tilespmem:v5+s13+$0x0], $0xffff  }
.LBB2_4:
0x1d0: {  	v5 =	vld [tilespmem:$0x1FBC0];
	_ =	sdelay $0x7  }
0x1d1: {  	[tilespmem:v59+s15+$0x0] =	vst.idx.msk $0xffff, v37;
	v37 =	vld.idx.msk [tilespmem:v5+s13+$0x0], $0xffff  }
0x1d2: {  	v5 =	vld [tilespmem:$0x1FCF0];
	_ =	sdelay $0x4  }
0x1d3: {  	v17 =	vmov v5;
	v5 =	vld [tilespmem:$0x1FD30];
	_ =	sdelay $0x4  }
0x1d4: {  	[tilespmem:$0x1FB30] =	vst v14;
	v14 =	vmov v5;
	v5 =	vld [tilespmem:$0x1FD80];
	_ =	sdelay $0x4  }
0x1d5: {  	v12 =	vmov v5;
	v5 =	vld [tilespmem:$0x1FD60];
	_ =	sdelay $0x4  }
0x1d6: {  	v9 =	vmov v5;
	v5 =	vld [tilespmem:$0x1FD90];
	_ =	sdelay $0x4  }
0x1d7: {  	v7 =	vmov v5;
	v5 =	vld [tilespmem:$0x1FC30];
	_ =	sdelay $0x4  }
0x1d8: {  	v6 =	vmov v5  }
0x1d9: {  	[tilespmem:$0x1FB00] =	vst v6;
	v6 =	vld [tilespmem:$0x1FD00];
	_ =	sdelay $0x4  }
0x1da: {  	[tilespmem:$0x1FB60] =	vst v14;
	v14 =	vld [tilespmem:$0x1FD10];
	v5 =	vmov v6  }
0x1db: {  	[tilespmem:$0x1FC30] =	vst v5;
	v5 =	vld [tilespmem:$0x1FC40];
	_ =	sdelay $0x3  }
0x1dc: {  	v40 =	vmov v3;
	v3 =	vld [tilespmem:$0x1FBE0]  }
0x1dd: {  	[tilespmem:$0x1FB50] =	vst v17;
	v17 =	vmov v5;
	v5 =	vmov v14  }
0x1de: {  	[tilespmem:$0x1FC40] =	vst v5;
	v5 =	vld [tilespmem:$0x1FC70];
	_ =	sdelay $0x4  }
0x1df: {  	v59 =	vmov v5  }
0x1e0: {  	[tilespmem:$0x1FBA0] =	vst v59;
	v59 =	vld.idx.msk [tilespmem:v3+s13+$0x0], $0xffff  }
0x1e1: {  	v3 =	vld [tilespmem:$0x1FC60]  }
0x1e2: {  	v5 =	vmov v1  }
0x1e3: {  	[tilespmem:$0x1FC70] =	vst v5;
	v5 =	vld [tilespmem:$0x1FBD0];
	_ =	sdelay $0x2  }
0x1e4: {  	v54 =	vshrl.u32 v36, $0x3;
	v36 =	vmov v4;
	v4 =	vmov v3  }
0x1e5: {  	[tilespmem:$0x1FBE0] =	vst v4;
	v4 =	vld [tilespmem:$0x1FD70];
	_ =	sdelay $0x1  }
0x1e6: {  	v55 =	vmov s21;
	[tilespmem:$0x1FB80] =	vst v9  }
0x1e7: {  	v9 =	vshrl.u32 v55, $0x3;
	[tilespmem:$0x1FB90] =	vst v7;
	v7 =	vshrl.u32 v61, $0x3;
	v6 =	vshrl.u32 v56, $0x3  }
0x1e8: {  	v1 =	vshll.u32 v6, v63;
	v6 =	vshll.u32 v7, v63;
	v7 =	vshll.u32 v9, v63;
	v9 =	vld.idx.msk [tilespmem:v5+s13+$0x0], $0xffff  }
0x1e9: {  	v5 =	vld [tilespmem:$0x1FC50];
	v3 =	vmov v4  }
0x1ea: {  	[tilespmem:$0x1FC60] =	vst v3;
	v3 =	vld [tilespmem:$0x1FC00];
	_ =	sdelay $0x3  }
0x1eb: {  	[tilespmem:$0x1FDA0] =	vst v40;
	v40 =	vld [tilespmem:$0x1FFC0]  }
0x1ec: {  	v35 =	vshrl.u32 v35, $0x3;
	v22 =	vld.idx.msk [tilespmem:v22+s13+$0x0], $0xffff;
	[tilespmem:$0x1FBC0] =	vst v17;
	v17 =	vmov v5  }
0x1ed: {  	v35 =	vshll.u32 v35, v63;
	v14 =	vmov s22;
	[tilespmem:$0x1FBD0] =	vst v17;
	v17 =	vld [tilespmem:$0x1FD40]  }
0x1ee: {  	[tilespmem:$0x1FB40] =	vst v12;
	v12 =	vld.idx.msk [tilespmem:v58+s13+$0x0], $0xffff;
	v61 =	vadd.s32 $0x2, v35;
	v14 =	vshrl.u32 v14, $0x3  }
0x1ef: {  	v54 =	vshll.u32 v54, v63;
	v55 =	vbroadcast v61, $0x0;
	v14 =	vshll.u32 v14, v63;
	v63 =	vld.idx.msk [tilespmem:v3+s13+$0x0], $0xffff  }
0x1f0: {  	v48 =	vsub.f32 v47, v48;
	v1 =	vadd.s32 $0x3, v1;
	v3 =	vld [tilespmem:$0x1FC80]  }
0x1f1: {  	v58 =	vld.idx.msk [tilespmem:v53+s11+$0x0], $0xffff;
	v1 =	vbroadcast v1, $0x0  }
0x1f2: {  	v48 =	vmul.f32 v48, v2;
	v5 =	vmov v17  }
0x1f3: {  	v61 =	vor.u32 v40, v39  }
0x1f4: {  	v54 =	vadd.s32 $0x1, v54;
	v12 =	vsub.f32 v12, v22;
	v56 =	vld.idx.msk [tilespmem:v34+s11+$0x0], $0xffff;
	[tilespmem:v26+s15+$0x0] =	vst.idx.msk $0xffff, v48  }
0x1f5: {  	v54 =	vbroadcast v54, $0x0;
	v26 =	vsub.f32 v30, v27;
	v30 =	vld.idx.msk [tilespmem:v55+s11+$0x0], $0xffff;
	[tilespmem:$0x1FC50] =	vst v5;
	v5 =	vmov v3  }
0x1f6: {  	v12 =	vmul.f32 v12, v52;
	v34 =	vmul.u32 $0x60, v58;
	[tilespmem:$0x1FC00] =	vst v5;
	v5 =	vld [tilespmem:$0x1FDB0]  }
0x1f7: {  	v29 =	vsub.f32 v29, v49;
	v1 =	vld.idx.msk [tilespmem:v1+s11+$0x0], $0xffff;
	v26 =	vmul.f32 v26, v60  }
0x1f8: {  	[tilespmem:v61+s15+$0x0] =	vst.idx.msk $0xffff, v12;
	v12 =	vor.u32 v62, v34;
	v4 =	vmov v39;
	v39 =	vld [tilespmem:$0x1FFF0]  }
0x1f9: {  	v29 =	vmul.f32 v29, v21;
	[tilespmem:v0+s15+$0x0] =	vst.idx.msk $0xffff, v26;
	v0 =	vld [tilespmem:$0x1FCA0]  }
0x1fa: {  	v46 =	vsub.f32 v46, v50  }
0x1fb: {  	v50 =	vld.idx.msk [tilespmem:v54+s11+$0x0], $0xffff;
	[tilespmem:v33+s15+$0x0] =	vst.idx.msk $0xffff, v29;
	v17 =	vmov v5;
	v5 =	vmov v18  }
0x1fc: {  	v29 =	vmul.f32 v46, v19;
	v27 =	vsub.f32 v43, v44;
	v9 =	vsub.f32 v37, v9;
	[tilespmem:$0x1FD50] =	vst v5;
	v5 =	vld [tilespmem:$0x1FE10]  }
0x1fd: {  	v12 =	vld.idx.msk [tilespmem:v12+s13+$0x0], $0xffff;
	v22 =	vadd.s32 v39, v16;
	v49 =	vadd.s32 v39, v51  }
0x1fe: {  	[tilespmem:v28+s15+$0x0] =	vst.idx.msk $0xffff, v29;
	v28 =	vmul.f32 v27, v32;
	v27 =	vmul.f32 v9, v0;
	v0 =	vmov v60  }
0x1ff: {  	v47 =	vmov v41;
	v41 =	vld.idx.msk [tilespmem:v55+s14+$0x0], $0xffff;
	[tilespmem:$0x1FCA0] =	vst v0  }
0x200: {  	v0 =	vld [tilespmem:$0x1FE40];
	[tilespmem:$0x1FC80] =	vst v17;
	v17 =	vmul.u32 $0x60, v56  }
0x201: {  	v25 =	vmul.f32 v25, v20;
	v6 =	vadd.s32 $0x4, v6;
	v16 =	vmovc v5;
	v5 =	vmovc v38;
	v38 =	vmov v2;
	v2 =	vld [tilespmem:$0x1FDD0]  }
0x202: {  	s26 =	sadd.s32 $0x3, s18;
	v6 =	vbroadcast v6, $0x0;
	v22 =	vld.idx.msk [tilespmem:v22+s13+$0x0], $0xffff;
	v58 =	vor.u32 v62, v17  }
0x203: {  	[tilespmem:v31+s15+$0x0] =	vst.idx.msk $0xffff, v25;
	v25 =	vmov s26;
	v54 =	vld.idx.msk [tilespmem:v49+s13+$0x0], $0xffff  }
0x204: {  	v25 =	vmul.u32 $0x60, v25;
	v18 =	vld [tilespmem:$0x1FFA0]  }
0x205: {  	v35 =	vmov v57;
	v57 =	vbroadcast v14, $0x0;
	v3 =	vmov v42;
	[tilespmem:$0x1FE10] =	vst v5;
	v5 =	vld [tilespmem:$0x1FC90]  }
0x206: {  	v14 =	vbroadcast v25, $0x0;
	v7 =	vadd.s32 $0x5, v7;
	[tilespmem:$0x1FB20] =	vst v3;
	v3 =	vsub.f32 v2, v45;
	v2 =	vld [tilespmem:$0x1FDE0]  }
0x207: {  	v7 =	vbroadcast v7, $0x0;
	v43 =	vmul.u32 $0x60, v50;
	v58 =	vld.idx.msk [tilespmem:v58+s13+$0x0], $0xffff  }
0x208: {  	v61 =	vor.u32 v62, v14;
	v50 =	vmovc v21;
	v21 =	vmov v40;
	v1 =	vmul.u32 $0x60, v1;
	v9 =	vld.idx.msk [tilespmem:v6+s11+$0x0], $0xffff  }
0x209: {  	v55 =	vadd.s32 v21, v43;
	v30 =	vmul.u32 $0x60, v30;
	[tilespmem:v0+s15+$0x0] =	vst.idx.msk $0xffff, v28;
	v28 =	vld.idx.msk [tilespmem:v53+s14+$0x0], $0xffff  }
0x20a: {  	[tilespmem:$0x1FB10] =	vst v36;
	v36 =	vadd.s32 v21, v1;
	v31 =	vsub.f32 v59, v63;
	v59 =	vor.u32 v39, v4  }
0x20b: {  	v25 =	vor.u32 v62, v30;
	[tilespmem:$0x1FCF0] =	vst v36;
	v49 =	vmov v19;
	v19 =	vld [tilespmem:$0x1FFB0];
	v22 =	vsub.f32 v22, v54  }
0x20c: {  	v44 =	vld.idx.msk [tilespmem:v6+s14+$0x0], $0xffff;
	v3 =	vmul.f32 v3, v5;
	v6 =	vsub.f32 v58, v12;
	v12 =	vor.u32 v18, v17  }
0x20d: {  	v42 =	vmovc v24;
	v22 =	vmul.f32 v22, v52;
	v52 =	vmul.u32 $0x60, v9;
	v7 =	vld.idx.msk [tilespmem:v7+s11+$0x0], $0xffff;
	v9 =	vor.u32 v18, v34  }
0x20e: {  	v29 =	vmov s20;
	v24 =	vor.u32 v62, v43;
	v56 =	vmovc v20;
	v20 =	vld [tilespmem:$0x1FFE0];
	v6 =	vmul.f32 v6, v28;
	[tilespmem:v2+s15+$0x0] =	vst.idx.msk $0xffff, v3  }
0x20f: {  	v11 =	vmov v11;
	s28 =	sadd.s32 $0x1, s20;
	v36 =	vadd.s32 v21, v30;
	v26 =	vmul.u32 $0x60, v29;
	[tilespmem:v59+s15+$0x0] =	vst.idx.msk $0xffff, v22;
	v3 =	vld.idx.msk [tilespmem:v57+s11+$0x0], $0xffff  }
0x210: {  	v48 =	vld.idx.msk [tilespmem:v25+s13+$0x0], $0xffff;
	v63 =	vmov s28;
	v29 =	vadd.s32 v19, v43;
	v25 =	vadd.s32 v19, v30;
	[tilespmem:v61+s15+$0x0] =	vst.idx.msk $0xffff, v6  }
0x211: {  	[tilespmem:$0x1FB70] =	vst v11;
	v60 =	vmovc v56;
	v40 =	vmov v28;
	v22 =	vor.u32 v62, v1;
	v28 =	vmul.u32 $0x60, v63;
	v63 =	vld.idx.msk [tilespmem:v12+s13+$0x0], $0xffff  }
0x212: {  	v0 =	vor.u32 v18, v43;
	v33 =	vor.u32 v18, v30;
	v11 =	vmovc v38;
	v5 =	vmov v60;
	v38 =	vld.idx.msk [tilespmem:v9+s13+$0x0], $0xffff  }
0x213: {  	v37 =	vadd.s32 v20, v30;
	v58 =	vmul.u32 $0x60, v7;
	[tilespmem:$0x1FC90] =	vst v5;
	v5 =	vlaneseq.u32;
	v51 =	vld.idx.msk [tilespmem:v24+s13+$0x0], $0xffff  }
0x214: {  	[tilespmem:$0x1FD30] =	vst v36;
	v2 =	vadd.s32 v20, v43;
	v43 =	vadd.s32 v39, v43;
	v45 =	vld.idx.msk [tilespmem:v57+s14+$0x0], $0xffff;
	v3 =	vmul.u32 $0x60, v3  }
0x215: {  	v57 =	vor.u32 v18, v1;
	v24 =	vadd.s32 v19, v1;
	[tilespmem:$0x1FD00] =	vst v43;
	v43 =	vor.u32 v18, v14  }
0x216: {  	v60 =	vor.u32 v5, v3;
	v5 =	vld.idx.msk [tilespmem:v22+s13+$0x0], $0xffff;
	v22 =	vadd.s32 v20, v1;
	v1 =	vadd.s32 v39, v1  }
0x217: {  	v12 =	vor.u32 v18, v3;
	v9 =	vadd.s32 v19, v3;
	[tilespmem:$0x1FD10] =	vst v1;
	v1 =	vadd.s32 v39, v30  }
0x218: {  	v53 =	vadd.s32 v20, v3;
	v30 =	vsub.f32 v63, v38;
	[tilespmem:$0x1FD40] =	vst v1;
	v1 =	vadd.s32 v39, v58  }
0x219: {  	v36 =	vadd.s32 v21, v3;
	[tilespmem:$0x1FD70] =	vst v1;
	v1 =	vadd.s32 v39, v3;
	v3 =	vadd.s32 v39, v52  }
0x21a: {  	[tilespmem:$0x1FDB0] =	vst v3;
	v3 =	vmul.f32 v30, v40;
	_ =	sdelay $0x1  }
0x21b: {  	[tilespmem:v43+s15+$0x0] =	vst.idx.msk $0xffff, v3;
	v3 =	vld [tilespmem:$0x1FB00];
	_ =	sdelay $0x7  }
0x21c: {  	v3 =	vld.idx.msk [tilespmem:v3+s13+$0x0], $0xffff;
	_ =	sdelay $0x4  }
0x21d: {  	[tilespmem:$0x1FDD0] =	vst v3;
	v3 =	vld [tilespmem:$0x1FE50];
	_ =	sdelay $0x3  }
0x21e: {  	v5 =	vsub.f32 v5, v48  }
0x21f: {  	v10 =	vld.idx.msk [tilespmem:v10+s13+$0x0], $0xffff  }
0x220: {  	v4 =	vld [tilespmem:$0x1FCE0];
	v5 =	vmul.f32 v5, v41  }
0x221: {  	v13 =	vld.idx.msk [tilespmem:v13+s13+$0x0], $0xffff  }
0x222: {  	[tilespmem:v3+s15+$0x0] =	vst.idx.msk $0xffff, v5;
	v3 =	vld [tilespmem:$0x1FE00];
	_ =	sdelay $0x5  }
0x223: {  	v4 =	vld.idx.msk [tilespmem:v4+s13+$0x0], $0xffff  }
0x224: {  	v23 =	vld.idx.msk [tilespmem:v23+s13+$0x0], $0xffff  }
0x225: {  	v7 =	vor.u32 v62, v52;
	[tilespmem:v3+s15+$0x0] =	vst.idx.msk $0xffff, v27;
	v3 =	vld [tilespmem:$0x1FE20]  }
0x226: {  	v61 =	vor.u32 v62, v58;
	_ =	sdelay $0x2  }
0x227: {  	v4 =	vsub.f32 v4, v23  }
0x228: {  	v6 =	vld.idx.msk [tilespmem:v7+s13+$0x0], $0xffff  }
0x229: {  	v61 =	vld.idx.msk [tilespmem:v61+s13+$0x0], $0xffff;
	v4 =	vmul.f32 v4, v50  }
0x22a: {  	v60 =	vld.idx.msk [tilespmem:v60+s13+$0x0], $0xffff  }
0x22b: {  	[tilespmem:v3+s15+$0x0] =	vst.idx.msk $0xffff, v4;
	v3 =	vld [tilespmem:$0x1FE60];
	_ =	sdelay $0x3  }
0x22c: {  	v6 =	vsub.f32 v61, v6  }
0x22d: {  	v8 =	vld.idx.msk [tilespmem:v8+s13+$0x0], $0xffff  }
0x22e: {  	v15 =	vld.idx.msk [tilespmem:v15+s13+$0x0], $0xffff;
	v6 =	vmul.f32 v6, v44  }
0x22f: {  	v23 =	vld [tilespmem:$0x1FCB0]  }
0x230: {  	[tilespmem:v3+s15+$0x0] =	vst.idx.msk $0xffff, v6;
	v3 =	vld [tilespmem:$0x1FE30];
	_ =	sdelay $0x3  }
0x231: {  	v23 =	vmul.f32 v31, v23;
	v31 =	vsub.f32 v51, v60  }
0x232: {  	[tilespmem:$0x1FD80] =	vst v36;
	v36 =	vadd.s32 v21, v58  }
0x233: {  	[tilespmem:$0x1FD60] =	vst v36;
	v36 =	vadd.s32 v21, v52;
	v31 =	vmul.f32 v31, v45  }
0x234: {  	[tilespmem:$0x1FD90] =	vst v36;
	v36 =	vadd.s32 v19, v34  }
0x235: {  	v38 =	vadd.s32 v19, v17;
	[tilespmem:v3+s15+$0x0] =	vst.idx.msk $0xffff, v31;
	v3 =	vmov v2;
	v2 =	vmov v32  }
0x236: {  	[tilespmem:$0x1FCB0] =	vst v2;
	v2 =	vld [tilespmem:$0x1FB10];
	_ =	sdelay $0x2  }
0x237: {  	v30 =	vadd.s32 v39, v16;
	v16 =	vld.idx.msk [tilespmem:v36+s13+$0x0], $0xffff  }
0x238: {  	v5 =	vld.idx.msk [tilespmem:v38+s13+$0x0], $0xffff  }
0x239: {  	v2 =	vor.u32 v39, v2  }
0x23a: {  	[tilespmem:$0x1FDE0] =	vst v2;
	v2 =	vld [tilespmem:$0x1FB30];
	_ =	sdelay $0x1  }
0x23b: {  	v8 =	vsub.f32 v8, v15;
	v15 =	vadd.s32 v19, v14  }
0x23c: {  	v5 =	vsub.f32 v5, v16  }
0x23d: {  	v48 =	vld [tilespmem:$0x1FD50]  }
0x23e: {  	v5 =	vmul.f32 v5, v40  }
0x23f: {  	v62 =	vor.u32 v18, v58;
	v38 =	vld.idx.msk [tilespmem:v57+s13+$0x0], $0xffff  }
0x240: {  	[tilespmem:v15+s15+$0x0] =	vst.idx.msk $0xffff, v5;
	v5 =	vld [tilespmem:$0x1FB60]  }
0x241: {  	v61 =	vld.idx.msk [tilespmem:v2+s13+$0x0], $0xffff  }
0x242: {  	s29 =	sadd.s32 $0x2, s20;
	v59 =	vor.u32 v18, v52;
	v36 =	vadd.s32 v20, v48;
	v2 =	vld [tilespmem:$0x1FB40]  }
0x243: {  	v27 =	vmov s29;
	v4 =	vsub.f32 v10, v13;
	v13 =	vld.idx.msk [tilespmem:v33+s13+$0x0], $0xffff  }
0x244: {  	v60 =	vmov v11;
	v10 =	vmul.u32 $0x60, v27;
	v6 =	vor.u32 v20, v47;
	v11 =	vld.idx.msk [tilespmem:v62+s13+$0x0], $0xffff  }
0x245: {  	v46 =	vadd.s32 v19, v58;
	v57 =	vbroadcast v26, $0x0;
	v26 =	vmul.f32 v4, v60;
	v0 =	vld.idx.msk [tilespmem:v0+s13+$0x0], $0xffff  }
0x246: {  	v56 =	vadd.s32 v20, v58;
	v58 =	vbroadcast v10, $0x0;
	v62 =	vlaneseq.u32;
	[tilespmem:v30+s15+$0x0] =	vst.idx.msk $0xffff, v23;
	v10 =	vld.idx.msk [tilespmem:v12+s13+$0x0], $0xffff  }
0x247: {  	v8 =	vmul.f32 v8, v49;
	[tilespmem:v36+s15+$0x0] =	vst.idx.msk $0xffff, v26;
	v23 =	vld.idx.msk [tilespmem:v59+s13+$0x0], $0xffff;
	v27 =	vor.u32 v62, v57  }
0x248: {  	[tilespmem:$0x1FE30] =	vst v27;
	v27 =	vld.idx.msk [tilespmem:v5+s13+$0x0], $0xffff  }
0x249: {  	[tilespmem:v6+s15+$0x0] =	vst.idx.msk $0xffff, v8;
	v12 =	vld [tilespmem:$0x1FB20]  }
0x24a: {  	v6 =	vsub.f32 v38, v13;
	v13 =	vor.u32 v18, v35;
	v8 =	vld.idx.msk [tilespmem:v2+s13+$0x0], $0xffff;
	v2 =	vor.u32 v20, v35  }
0x24b: {  	v5 =	vsub.f32 v0, v10;
	[tilespmem:$0x1FE20] =	vst v2;
	v2 =	vld [tilespmem:$0x1FB50]  }
0x24c: {  	v0 =	vld [tilespmem:$0x1FB70]  }
0x24d: {  	v5 =	vmul.f32 v5, v45  }
0x24e: {  	v26 =	vor.u32 v18, v12  }
0x24f: {  	[tilespmem:v13+s15+$0x0] =	vst.idx.msk $0xffff, v5;
	v5 =	vld [tilespmem:$0x1FB80];
	_ =	sdelay $0x1  }
0x250: {  	v6 =	vmul.f32 v6, v41;
	v0 =	vadd.s32 v39, v0  }
0x251: {  	v63 =	vld [tilespmem:$0x1FFD0];
	v51 =	vbroadcast v28, $0x0;
	v28 =	vadd.s32 v20, v34;
	[tilespmem:$0x1FE00] =	vst v0  }
0x252: {  	v0 =	vadd.s32 v21, v48;
	v30 =	vld.idx.msk [tilespmem:v2+s13+$0x0], $0xffff;
	[tilespmem:v26+s15+$0x0] =	vst.idx.msk $0xffff, v6;
	v6 =	vsub.f32 v11, v23  }
0x253: {  	v11 =	vmov v48;
	v48 =	vld.idx.msk [tilespmem:v25+s13+$0x0], $0xffff;
	v25 =	vsub.f32 v61, v8;
	v8 =	vor.u32 v62, v51  }
0x254: {  	s19 =	sadd.s32 $0x8, s19;
	v38 =	vmov v47;
	v10 =	vor.u32 v18, v42;
	[tilespmem:$0x1FE50] =	vst v8;
	v8 =	vor.u32 v62, v58  }
0x255: {  	v18 =	vmovc v12;
	v26 =	vadd.s32 v19, v12;
	v12 =	vadd.s32 v21, v38;
	[tilespmem:$0x1FE60] =	vst v8;
	v8 =	vmov s19  }
0x256: {  	v43 =	vld.idx.msk [tilespmem:v5+s13+$0x0], $0xffff;
	v5 =	vshrl.u32 v8, $0x3  }
0x257: {  	v2 =	vmov v41;
	v23 =	vld.idx.msk [tilespmem:v28+s13+$0x0], $0xffff;
	v6 =	vmul.f32 v6, v44;
	v5 =	vshll.u32 v5, v63  }
0x258: {  	v41 =	vmovc v42;
	v28 =	vor.u32 v19, v42;
	v42 =	vmovc v51;
	[tilespmem:$0x1FE40] =	vst v12;
	v12 =	vmov v21;
	v5 =	vadd.s32 $0x7, v5  }
0x259: {  	v51 =	vmovc v34;
	[tilespmem:v10+s15+$0x0] =	vst.idx.msk $0xffff, v6;
	v10 =	vmov v22;
	v22 =	vadd.s32 v12, v34;
	v34 =	vbroadcast v5, $0x0;
	v5 =	vld [tilespmem:$0x1FB90];
	_ =	sdelay $0x4  }
0x25a: {  	v16 =	vadd.s32 v20, v17;
	_ =	sdelay $0x1  }
0x25b: {  	v4 =	vld [tilespmem:$0x1FDA0]  }
0x25c: {  	v54 =	vadd.s32 v19, v52;
	v33 =	vor.u32 v19, v35;
	v19 =	vmov v44;
	v44 =	vld.idx.msk [tilespmem:v5+s13+$0x0], $0xffff  }
0x25d: {  	v5 =	vld [tilespmem:$0x1FBA0]  }
0x25e: {  	v15 =	vld.idx.msk [tilespmem:v16+s13+$0x0], $0xffff  }
0x25f: {  	s30 =	sadd.s32 $0xFFFFFFFA, s19  }
0x260: {  	p0 =	slt.u32 s20, $0x3C;
	s25 =	sadd.s32 $0xFFFFFFFF, s19;
	v7 =	vadd.s32 v20, v52;
	v52 =	vmov v40;
	v36 =	vmov s30;
	v29 =	vld.idx.msk [tilespmem:v29+s13+$0x0], $0xffff  }
.Ltmp1:
0x261: {  	v16 =	vmovc v17;
	v59 =	vadd.s32 v20, v14;
	v31 =	vor.u32 v21, v4;
	v32 =	vmovc v49;
	v49 =	vld.idx.msk [tilespmem:v9+s13+$0x0], $0xffff;
	v6 =	vmov s25;
	(pc) =	sbr.rel @p0 .LBB2_4-.Ltmp1, $4  }
0x262: {  	s31 =	sadd.s32 $0xFFFFFFFB, s19;
	[tilespmem:$0x1FCE0] =	vst v3;
	v3 =	vmovc v35;
	v39 =	vmovc v14;
	v14 =	vmov v55;
	v20 =	vmov v50;
	v47 =	vld.idx.msk [tilespmem:v24+s13+$0x0], $0xffff;
	v6 =	vshrl.u32 v6, $0x3  }
0x263: {  	s24 =	sadd.s32 $0xFFFFFFFD, s19;
	v35 =	vmov s31;
	v13 =	vmovc v37;
	v24 =	vmovc v58;
	v46 =	vld.idx.msk [tilespmem:v46+s13+$0x0], $0xffff;
	v9 =	vsub.f32 v15, v23;
	v6 =	vshll.u32 v6, v63  }
0x264: {  	s18 =	smov.u32 s20;
	s23 =	sadd.s32 $0xFFFFFFFC, s19;
	v61 =	vmov s24;
	v21 =	vmovc v45;
	v58 =	vadd.s32 v12, v17;
	v50 =	vld.idx.msk [tilespmem:v54+s13+$0x0], $0xffff;
	v23 =	vmovc v53;
	v6 =	vadd.s32 $0x6, v6  }
0x265: {  	s21 =	sadd.s32 $0xFFFFFFFE, s19;
	s22 =	sadd.s32 $0xFFFFFFF9, s19;
	s20 =	sadd.s32 $0x4, s20;
	v15 =	vmovc v7;
	v8 =	vmovc v56;
	v56 =	vmov s23;
	v37 =	vmul.f32 v9, v40;
	v53 =	vbroadcast v6, $0x0;
	v45 =	vld.idx.msk [tilespmem:v5+s13+$0x0], $0xffff  }
0x266: {  	_ =	sdelay $0x3  }
0x267: {  	v5 =	vld.idx.msk [tilespmem:v34+s11+$0x0], $0xffff  }
0x268: {  	v6 =	vld.idx.msk [tilespmem:v53+s11+$0x0], $0xffff;
	[tilespmem:$0x1FAF0] =	vst v32  }
0x269: {  	[tilespmem:v59+s15+$0x0] =	vst.idx.msk $0xffff, v37  }
0x26a: {  	v7 =	vld [tilespmem:$0x1FBC0];
	_ =	sdelay $0x7  }
0x26b: {  	v7 =	vld.idx.msk [tilespmem:v7+s13+$0x0], $0xffff;
	_ =	sdelay $0x3  }
0x26c: {  	v54 =	vshrl.u32 v36, $0x3;
	[tilespmem:$0x1FAE0] =	vst v38  }
0x26d: {  	v12 =	vshrl.u32 v61, $0x3;
	v32 =	vshll.u32 v54, v63;
	[tilespmem:$0x1FAA0] =	vst v7  }
0x26e: {  	v32 =	vadd.s32 $0x1, v32;
	v40 =	vmul.u32 $0x60, v5;
	v9 =	vmul.u32 $0x60, v6;
	v61 =	vld.idx.msk [tilespmem:v58+s13+$0x0], $0xffff  }
0x26f: {  	v59 =	vshrl.u32 v35, $0x3;
	v32 =	vbroadcast v32, $0x0  }
0x270: {  	v6 =	vor.u32 v62, v40;
	v35 =	vor.u32 v62, v9;
	v62 =	vshrl.u32 v56, $0x3;
	v56 =	vld [tilespmem:$0x1FBD0];
	_ =	sdelay $0x1  }
0x271: {  	v55 =	vmov s22  }
0x272: {  	v5 =	vshrl.u32 v55, $0x3;
	[tilespmem:$0x1FA80] =	vst v61;
	v61 =	vld [tilespmem:$0x1FBE0]  }
0x273: {  	v5 =	vshll.u32 v5, v63;
	v58 =	vld.idx.msk [tilespmem:v22+s13+$0x0], $0xffff  }
0x274: {  	v38 =	vbroadcast v5, $0x0;
	v5 =	vld.idx.msk [tilespmem:v32+s11+$0x0], $0xffff  }
0x275: {  	v6 =	vld.idx.msk [tilespmem:v6+s13+$0x0], $0xffff  }
0x276: {  	v35 =	vld.idx.msk [tilespmem:v35+s13+$0x0], $0xffff;
	[tilespmem:$0x1FCC0] =	vst v60  }
0x277: {  	v7 =	vld.idx.msk [tilespmem:v56+s13+$0x0], $0xffff  }
0x278: {  	s18 =	sadd.s32 $0x3, s18;
	v22 =	vshll.u32 v62, v63  }
0x279: {  	v62 =	vshll.u32 v12, v63;
	v12 =	vmov s18;
	v22 =	vadd.s32 $0x3, v22  }
0x27a: {  	v36 =	vadd.s32 $0x4, v62;
	v55 =	vbroadcast v22, $0x0;
	v22 =	vmul.u32 $0x60, v12  }
0x27b: {  	v60 =	vbroadcast v36, $0x0;
	v36 =	vld.idx.msk [tilespmem:v38+s11+$0x0], $0xffff  }
0x27c: {  	v12 =	vld.idx.msk [tilespmem:v53+s14+$0x0], $0xffff;
	v62 =	vbroadcast v22, $0x0;
	[tilespmem:$0x1FAB0] =	vst v7  }
0x27d: {  	v32 =	vlaneseq.u32;
	v7 =	vld.idx.msk [tilespmem:v61+s13+$0x0], $0xffff  }
0x27e: {  	v37 =	vor.u32 v32, v62  }
0x27f: {  	v6 =	vsub.f32 v6, v35;
	_ =	sdelay $0x1  }
0x280: {  	v6 =	vmul.f32 v6, v12  }
0x281: {  	[tilespmem:$0x1FAC0] =	vst v7  }
0x282: {  	v17 =	vld [tilespmem:$0x1FFA0];
	[tilespmem:v37+s15+$0x0] =	vst.idx.msk $0xffff, v6  }
0x283: {  	v4 =	vld [tilespmem:$0x1FC00];
	_ =	sdelay $0x1  }
0x284: {  	v54 =	vmov s21  }
0x285: {  	v54 =	vshrl.u32 v54, $0x3;
	v34 =	vshll.u32 v59, v63  }
0x286: {  	v34 =	vadd.s32 $0x2, v34;
	v63 =	vshll.u32 v54, v63  }
0x287: {  	v59 =	vbroadcast v34, $0x0;
	v54 =	vadd.s32 $0x5, v63  }
0x288: {  	v34 =	vbroadcast v54, $0x0;
	_ =	sdelay $0x1  }
0x289: {  	v4 =	vld.idx.msk [tilespmem:v4+s13+$0x0], $0xffff  }
0x28a: {  	v54 =	vmul.u32 $0x60, v5;
	v61 =	vor.u32 v17, v40;
	v56 =	vld.idx.msk [tilespmem:v60+s11+$0x0], $0xffff  }
0x28b: {  	v63 =	vld.idx.msk [tilespmem:v55+s11+$0x0], $0xffff;
	v55 =	vmul.u32 $0x60, v36;
	v36 =	vor.u32 v17, v9  }
0x28c: {  	v35 =	vor.u32 v32, v54;
	v22 =	vld.idx.msk [tilespmem:v59+s11+$0x0], $0xffff  }
0x28d: {  	v34 =	vld.idx.msk [tilespmem:v34+s11+$0x0], $0xffff;
	v5 =	vor.u32 v32, v55  }
0x28e: {  	v18 =	vld [tilespmem:$0x1FFB0];
	[tilespmem:$0x1FAD0] =	vst v4  }
0x28f: {  	v4 =	vmul.u32 $0x60, v56;
	v61 =	vld.idx.msk [tilespmem:v61+s13+$0x0], $0xffff  }
0x290: {  	v37 =	vmul.u32 $0x60, v63;
	v63 =	vld.idx.msk [tilespmem:v36+s13+$0x0], $0xffff  }
0x291: {  	v35 =	vld.idx.msk [tilespmem:v35+s13+$0x0], $0xffff;
	[tilespmem:$0x1FA90] =	vst v4  }
0x292: {  	v5 =	vld.idx.msk [tilespmem:v5+s13+$0x0], $0xffff  }
0x293: {  	v7 =	vld.idx.msk [tilespmem:v59+s14+$0x0], $0xffff  }
0x294: {  	v59 =	vor.u32 v32, v4;
	v4 =	vld.idx.msk [tilespmem:v38+s14+$0x0], $0xffff  }
0x295: {  	v53 =	vmul.u32 $0x60, v22;
	v36 =	vmul.u32 $0x60, v34;
	v34 =	vld.idx.msk [tilespmem:v60+s14+$0x0], $0xffff  }
0x296: {  	[tilespmem:$0x1FE70] =	vst v39;
	v61 =	vsub.f32 v61, v63;
	v63 =	vmov v39;
	v39 =	vmov v42;
	v42 =	vld [tilespmem:$0x1FFC0]  }
0x297: {  	v6 =	vor.u32 v32, v37;
	v56 =	vor.u32 v32, v53;
	v38 =	vor.u32 v32, v36;
	v32 =	vld [tilespmem:$0x1FA80];
	_ =	sdelay $0x2  }
0x298: {  	v22 =	vor.u32 v17, v62  }
0x299: {  	v60 =	vor.u32 v42, v63;
	v63 =	vadd.s32 v18, v40  }
0x29a: {  	v58 =	vsub.f32 v32, v58  }
0x29b: {  	v5 =	vsub.f32 v35, v5;
	v35 =	vmul.f32 v61, v12  }
0x29c: {  	v29 =	vsub.f32 v29, v49;
	v49 =	vmul.f32 v58, v52  }
0x29d: {  	[tilespmem:v22+s15+$0x0] =	vst.idx.msk $0xffff, v35  }
0x29e: {  	[tilespmem:v60+s15+$0x0] =	vst.idx.msk $0xffff, v49;
	v60 =	vsub.f32 v46, v50;
	v46 =	vld.idx.msk [tilespmem:v63+s13+$0x0], $0xffff  }
0x29f: {  	v63 =	vld [tilespmem:$0x1FE30];
	_ =	sdelay $0x1  }
0x2a0: {  	v22 =	vsub.f32 v47, v48  }
0x2a1: {  	v29 =	vmul.f32 v29, v21  }
0x2a2: {  	v47 =	vmov v2;
	v2 =	vmul.f32 v22, v2  }
0x2a3: {  	v35 =	vld.idx.msk [tilespmem:v38+s13+$0x0], $0xffff;
	[tilespmem:v33+s15+$0x0] =	vst.idx.msk $0xffff, v29;
	v38 =	vmul.f32 v60, v19  }
0x2a4: {  	v5 =	vmul.f32 v5, v4;
	[tilespmem:v26+s15+$0x0] =	vst.idx.msk $0xffff, v2  }
0x2a5: {  	v6 =	vld.idx.msk [tilespmem:v6+s13+$0x0], $0xffff;
	v49 =	vmul.f32 v25, v20;
	[tilespmem:v28+s15+$0x0] =	vst.idx.msk $0xffff, v38  }
0x2a6: {  	v56 =	vld.idx.msk [tilespmem:v56+s13+$0x0], $0xffff;
	[tilespmem:v63+s15+$0x0] =	vst.idx.msk $0xffff, v5  }
0x2a7: {  	v32 =	vadd.s32 v18, v9;
	v29 =	vld [tilespmem:$0x1FCE0];
	[tilespmem:v31+s15+$0x0] =	vst.idx.msk $0xffff, v49  }
0x2a8: {  	v60 =	vld [tilespmem:$0x1FE50];
	_ =	sdelay $0x3  }
0x2a9: {  	v6 =	vsub.f32 v6, v56;
	v22 =	vld.idx.msk [tilespmem:v32+s13+$0x0], $0xffff;
	_ =	sdelay $0x1  }
0x2aa: {  	v6 =	vmul.f32 v6, v7;
	_ =	sdelay $0x1  }
0x2ab: {  	v38 =	vmov v21;
	v21 =	vld [tilespmem:$0x1FFF0];
	[tilespmem:v60+s15+$0x0] =	vst.idx.msk $0xffff, v6  }
0x2ac: {  	v22 =	vsub.f32 v46, v22;
	v46 =	vld [tilespmem:$0x1FCC0];
	_ =	sdelay $0x2  }
0x2ad: {  	v56 =	vsub.f32 v30, v27;
	_ =	sdelay $0x1  }
0x2ae: {  	v5 =	vmul.f32 v56, v46;
	_ =	sdelay $0x1  }
0x2af: {  	v61 =	vor.u32 v17, v54;
	v58 =	vld.idx.msk [tilespmem:v59+s13+$0x0], $0xffff;
	[tilespmem:v0+s15+$0x0] =	vst.idx.msk $0xffff, v5  }
0x2b0: {  	v2 =	vld [tilespmem:$0x1FE60];
	_ =	sdelay $0x1  }
0x2b1: {  	v33 =	vor.u32 v17, v53;
	_ =	sdelay $0x1  }
0x2b2: {  	v32 =	vld.idx.msk [tilespmem:v61+s13+$0x0], $0xffff;
	v61 =	vsub.f32 v35, v58  }
0x2b3: {  	v59 =	vor.u32 v17, v55  }
0x2b4: {  	v6 =	vmul.f32 v61, v34  }
0x2b5: {  	v56 =	vld.idx.msk [tilespmem:v33+s13+$0x0], $0xffff  }
0x2b6: {  	v49 =	vmov v34;
	v34 =	vld [tilespmem:$0x1FA90];
	[tilespmem:v2+s15+$0x0] =	vst.idx.msk $0xffff, v6  }
0x2b7: {  	v33 =	vmov v19;
	v19 =	vld [tilespmem:$0x1FFE0]  }
0x2b8: {  	v50 =	vld.idx.msk [tilespmem:v59+s13+$0x0], $0xffff  }
0x2b9: {  	v26 =	vor.u32 v17, v37  }
0x2ba: {  	v59 =	vadd.s32 v21, v16  }
0x2bb: {  	v16 =	vadd.s32 v18, v62  }
0x2bc: {  	v23 =	vld.idx.msk [tilespmem:v23+s13+$0x0], $0xffff;
	v63 =	vor.u32 v17, v57;
	v61 =	vadd.s32 v19, v9  }
0x2bd: {  	v10 =	vld.idx.msk [tilespmem:v10+s13+$0x0], $0xffff;
	v25 =	vsub.f32 v32, v50  }
0x2be: {  	v48 =	vmov v4;
	v58 =	vmul.f32 v22, v12;
	v26 =	vld.idx.msk [tilespmem:v26+s13+$0x0], $0xffff  }
0x2bf: {  	v6 =	vld.idx.msk [tilespmem:v59+s13+$0x0], $0xffff;
	v59 =	vmul.f32 v25, v48  }
0x2c0: {  	v5 =	vld.idx.msk [tilespmem:v8+s13+$0x0], $0xffff;
	[tilespmem:v16+s15+$0x0] =	vst.idx.msk $0xffff, v58  }
0x2c1: {  	[tilespmem:v63+s15+$0x0] =	vst.idx.msk $0xffff, v59;
	v8 =	vld.idx.msk [tilespmem:v61+s13+$0x0], $0xffff  }
0x2c2: {  	v61 =	vld [tilespmem:$0x1FE40]  }
0x2c3: {  	v30 =	vor.u32 v17, v36;
	v2 =	vld [tilespmem:$0x1FAF0]  }
0x2c4: {  	v50 =	vmov v40;
	v4 =	vld.idx.msk [tilespmem:v29+s13+$0x0], $0xffff;
	v60 =	vadd.s32 v19, v40;
	v40 =	vor.u32 v17, v39  }
0x2c5: {  	v13 =	vld.idx.msk [tilespmem:v13+s13+$0x0], $0xffff;
	v0 =	vsub.f32 v26, v56;
	v22 =	vor.u32 v17, v34  }
0x2c6: {  	v63 =	vsub.f32 v43, v44  }
0x2c7: {  	v0 =	vmul.f32 v0, v7;
	v16 =	vadd.s32 v18, v54;
	v44 =	vld [tilespmem:$0x1FB20]  }
0x2c8: {  	v15 =	vld.idx.msk [tilespmem:v15+s13+$0x0], $0xffff;
	v32 =	vmov v11;
	v11 =	vmul.f32 v63, v2  }
0x2c9: {  	v27 =	vadd.s32 v18, v55;
	v4 =	vsub.f32 v4, v23;
	v23 =	vld.idx.msk [tilespmem:v30+s13+$0x0], $0xffff;
	[tilespmem:v40+s15+$0x0] =	vst.idx.msk $0xffff, v0  }
0x2ca: {  	v10 =	vsub.f32 v10, v13;
	v13 =	vld.idx.msk [tilespmem:v22+s13+$0x0], $0xffff;
	v22 =	vadd.s32 v18, v37;
	[tilespmem:v61+s15+$0x0] =	vst.idx.msk $0xffff, v11  }
0x2cb: {  	v56 =	vadd.s32 v18, v53;
	v2 =	vld [tilespmem:$0x1FE20]  }
0x2cc: {  	v58 =	vadd.s32 v19, v44;
	v63 =	vld.idx.msk [tilespmem:v16+s13+$0x0], $0xffff  }
0x2cd: {  	v25 =	vld.idx.msk [tilespmem:v60+s13+$0x0], $0xffff;
	v60 =	vor.u32 v19, v41  }
0x2ce: {  	v5 =	vsub.f32 v5, v15;
	v59 =	vadd.s32 v21, v51;
	v40 =	vld.idx.msk [tilespmem:v27+s13+$0x0], $0xffff  }
0x2cf: {  	v28 =	vmul.f32 v10, v47;
	v51 =	vld.idx.msk [tilespmem:v22+s13+$0x0], $0xffff  }
0x2d0: {  	v43 =	vmul.f32 v5, v33;
	v56 =	vld.idx.msk [tilespmem:v56+s13+$0x0], $0xffff  }
0x2d1: {  	v4 =	vmul.f32 v4, v38;
	v13 =	vsub.f32 v23, v13;
	[tilespmem:v58+s15+$0x0] =	vst.idx.msk $0xffff, v28  }
0x2d2: {  	[tilespmem:v60+s15+$0x0] =	vst.idx.msk $0xffff, v43;
	v58 =	vor.u32 v17, v24  }
0x2d3: {  	v13 =	vmul.f32 v13, v49;
	v22 =	vadd.s32 v19, v62;
	[tilespmem:v2+s15+$0x0] =	vst.idx.msk $0xffff, v4;
	v4 =	vld.idx.msk [tilespmem:v59+s13+$0x0], $0xffff  }
0x2d4: {  	v8 =	vsub.f32 v25, v8;
	v10 =	vsub.f32 v63, v40;
	v63 =	vadd.s32 v18, v39;
	v2 =	vld [tilespmem:$0x1FC30]  }
0x2d5: {  	v0 =	vsub.f32 v51, v56;
	v61 =	vadd.s32 v18, v34;
	v59 =	vor.u32 v18, v57;
	v11 =	vld.idx.msk [tilespmem:v14+s13+$0x0], $0xffff  }
0x2d6: {  	v8 =	vmul.f32 v8, v12;
	v60 =	vld [tilespmem:$0x1FD80]  }
0x2d7: {  	v30 =	vmov v49;
	v0 =	vmul.f32 v0, v7;
	v49 =	vld [tilespmem:$0x1FCF0];
	[tilespmem:v58+s15+$0x0] =	vst.idx.msk $0xffff, v13  }
0x2d8: {  	v10 =	vmul.f32 v10, v48;
	v51 =	vld [tilespmem:$0x1FD30];
	[tilespmem:v22+s15+$0x0] =	vst.idx.msk $0xffff, v8  }
0x2d9: {  	v58 =	vld [tilespmem:$0x1FD60];
	[tilespmem:v63+s15+$0x0] =	vst.idx.msk $0xffff, v0  }
0x2da: {  	v0 =	vld.idx.msk [tilespmem:v61+s13+$0x0], $0xffff;
	[tilespmem:v59+s15+$0x0] =	vst.idx.msk $0xffff, v10  }
0x2db: {  	v56 =	vadd.s32 v19, v55;
	v59 =	vld [tilespmem:$0x1FDD0]  }
0x2dc: {  	v61 =	vld [tilespmem:$0x1FAB0]  }
0x2dd: {  	v28 =	vld [tilespmem:$0x1FE70]  }
0x2de: {  	v14 =	vld.idx.msk [tilespmem:v60+s13+$0x0], $0xffff  }
0x2df: {  	v60 =	vld [tilespmem:$0x1FAA0]  }
0x2e0: {  	v13 =	vld.idx.msk [tilespmem:v56+s13+$0x0], $0xffff  }
0x2e1: {  	v29 =	vld [tilespmem:$0x1FC90]  }
0x2e2: {  	v43 =	vld [tilespmem:$0x1FAC0]  }
0x2e3: {  	v56 =	vld [tilespmem:$0x1FCA0]  }
0x2e4: {  	v63 =	vsub.f32 v60, v61;
	v60 =	vld [tilespmem:$0x1FDE0]  }
0x2e5: {  	v16 =	vld.idx.msk [tilespmem:v2+s13+$0x0], $0xffff  }
0x2e6: {  	v4 =	vsub.f32 v6, v4;
	v17 =	vld.idx.msk [tilespmem:v51+s13+$0x0], $0xffff;
	v6 =	vor.u32 v21, v28  }
0x2e7: {  	v23 =	vadd.s32 v18, v36;
	v51 =	vld [tilespmem:$0x1FD90]  }
0x2e8: {  	v8 =	vld.idx.msk [tilespmem:v58+s13+$0x0], $0xffff;
	v2 =	vsub.f32 v59, v45  }
0x2e9: {  	v4 =	vmul.f32 v4, v52;
	v45 =	vld [tilespmem:$0x1FAD0]  }
0x2ea: {  	v58 =	vld [tilespmem:$0x1FC70];
	v2 =	vmul.f32 v2, v29  }
0x2eb: {  	v27 =	vadd.s32 v19, v54;
	v29 =	vld [tilespmem:$0x1FE10];
	[tilespmem:v6+s15+$0x0] =	vst.idx.msk $0xffff, v4  }
0x2ec: {  	v35 =	vmov v9;
	v9 =	vld.idx.msk [tilespmem:v23+s13+$0x0], $0xffff;
	v23 =	vadd.s32 v19, v37;
	[tilespmem:v60+s15+$0x0] =	vst.idx.msk $0xffff, v2  }
0x2ed: {  	v10 =	vadd.s32 v42, v50;
	v52 =	vld [tilespmem:$0x1FE00]  }
0x2ee: {  	v26 =	vadd.s32 v42, v35;
	_ =	sdelay $0x1  }
0x2ef: {  	v31 =	vmov v24;
	v24 =	vadd.s32 v19, v53;
	v22 =	vld.idx.msk [tilespmem:v27+s13+$0x0], $0xffff  }
0x2f0: {  	v23 =	vld.idx.msk [tilespmem:v23+s13+$0x0], $0xffff  }
0x2f1: {  	v27 =	vor.u32 v18, v31;
	v10 =	vld.idx.msk [tilespmem:v10+s13+$0x0], $0xffff  }
0x2f2: {  	v0 =	vsub.f32 v9, v0;
	v15 =	vmul.f32 v63, v56;
	v56 =	vld.idx.msk [tilespmem:v26+s13+$0x0], $0xffff  }
0x2f3: {  	v59 =	vadd.s32 v19, v36;
	v25 =	vsub.f32 v43, v45;
	v43 =	vld.idx.msk [tilespmem:v51+s13+$0x0], $0xffff  }
0x2f4: {  	v0 =	vmul.f32 v0, v30;
	v61 =	vadd.s32 v19, v34;
	v51 =	vld.idx.msk [tilespmem:v24+s13+$0x0], $0xffff;
	[tilespmem:v52+s15+$0x0] =	vst.idx.msk $0xffff, v15  }
0x2f5: {  	v45 =	vsub.f32 v22, v13;
	v13 =	vld [tilespmem:$0x1FCB0]  }
0x2f6: {  	v63 =	vor.u32 v19, v57;
	v28 =	vld.idx.msk [tilespmem:v58+s13+$0x0], $0xffff;
	[tilespmem:v27+s15+$0x0] =	vst.idx.msk $0xffff, v0  }
0x2f7: {  	v29 =	vadd.s32 v21, v29;
	v58 =	vadd.s32 v42, v55;
	v0 =	vld [tilespmem:$0x1FC40]  }
0x2f8: {  	v9 =	vld.idx.msk [tilespmem:v59+s13+$0x0], $0xffff  }
0x2f9: {  	v11 =	vsub.f32 v11, v14;
	v4 =	vmul.f32 v45, v48;
	v2 =	vld.idx.msk [tilespmem:v61+s13+$0x0], $0xffff  }
0x2fa: {  	v40 =	vmovc v7;
	v22 =	vadd.s32 v42, v54;
	v59 =	vadd.s32 v19, v39;
	v13 =	vmul.f32 v25, v13  }
0x2fb: {  	v5 =	vld.idx.msk [tilespmem:v49+s13+$0x0], $0xffff;
	v6 =	vsub.f32 v23, v51;
	[tilespmem:v63+s15+$0x0] =	vst.idx.msk $0xffff, v4;
	v61 =	vor.u32 v42, v62  }
0x2fc: {  	v10 =	vsub.f32 v10, v56;
	v63 =	vor.u32 v42, v3;
	v52 =	vld.idx.msk [tilespmem:v58+s13+$0x0], $0xffff;
	[tilespmem:v29+s15+$0x0] =	vst.idx.msk $0xffff, v13  }
0x2fd: {  	v49 =	vmovc v12;
	v60 =	vadd.s32 v42, v37;
	v51 =	vor.u32 v19, v31;
	v6 =	vmul.f32 v6, v40;
	v4 =	vld [tilespmem:$0x1FC50]  }
0x2fe: {  	v12 =	vmov v30;
	v10 =	vmul.f32 v10, v49;
	v2 =	vsub.f32 v9, v2;
	v30 =	vld [tilespmem:$0x1FC60]  }
0x2ff: {  	v23 =	vadd.s32 v42, v53;
	v58 =	vmul.f32 v11, v38;
	v45 =	vld [tilespmem:$0x1FC80];
	[tilespmem:v59+s15+$0x0] =	vst.idx.msk $0xffff, v6  }
0x300: {  	v27 =	vadd.s32 v21, v50;
	v22 =	vld.idx.msk [tilespmem:v22+s13+$0x0], $0xffff;
	[tilespmem:v61+s15+$0x0] =	vst.idx.msk $0xffff, v10;
	v2 =	vmul.f32 v2, v12  }
0x301: {  	[tilespmem:v63+s15+$0x0] =	vst.idx.msk $0xffff, v58;
	v0 =	vld.idx.msk [tilespmem:v0+s13+$0x0], $0xffff  }
0x302: {  	v56 =	vadd.s32 v42, v36;
	v59 =	vld.idx.msk [tilespmem:v60+s13+$0x0], $0xffff;
	[tilespmem:v51+s15+$0x0] =	vst.idx.msk $0xffff, v2  }
0x303: {  	v50 =	vadd.s32 v21, v35;
	v35 =	vld [tilespmem:$0x1FDA0]  }
0x304: {  	v23 =	vld.idx.msk [tilespmem:v23+s13+$0x0], $0xffff  }
0x305: {  	v10 =	vld.idx.msk [tilespmem:v27+s13+$0x0], $0xffff  }
0x306: {  	v61 =	vadd.s32 v42, v44;
	v60 =	vadd.s32 v42, v34;
	v1 =	vld.idx.msk [tilespmem:v1+s13+$0x0], $0xffff  }
0x307: {  	v5 =	vsub.f32 v5, v17;
	v63 =	vadd.s32 v42, v41;
	v9 =	vld.idx.msk [tilespmem:v56+s13+$0x0], $0xffff  }
0x308: {  	v26 =	vld.idx.msk [tilespmem:v30+s13+$0x0], $0xffff;
	v30 =	vsub.f32 v8, v43;
	v8 =	vor.u32 v21, v35  }
0x309: {  	v5 =	vmul.f32 v5, v47;
	v51 =	vor.u32 v42, v57;
	v43 =	vld.idx.msk [tilespmem:v50+s13+$0x0], $0xffff;
	v50 =	vsub.f32 v16, v28  }
0x30a: {  	v6 =	vsub.f32 v22, v52;
	v16 =	vld [tilespmem:$0x1FD00];
	v2 =	vmul.f32 v30, v33  }
0x30b: {  	v56 =	vadd.s32 v21, v54;
	v11 =	vld.idx.msk [tilespmem:v60+s13+$0x0], $0xffff;
	[tilespmem:v61+s15+$0x0] =	vst.idx.msk $0xffff, v5;
	v52 =	vmul.f32 v50, v20  }
0x30c: {  	v58 =	vadd.s32 v21, v55;
	v6 =	vmul.f32 v6, v48;
	v4 =	vld.idx.msk [tilespmem:v4+s13+$0x0], $0xffff;
	[tilespmem:v63+s15+$0x0] =	vst.idx.msk $0xffff, v2  }
0x30d: {  	v22 =	vadd.s32 v42, v39;
	v14 =	vld.idx.msk [tilespmem:v45+s13+$0x0], $0xffff;
	[tilespmem:v8+s15+$0x0] =	vst.idx.msk $0xffff, v52  }
0x30e: {  	v18 =	vmov v3;
	v3 =	vsub.f32 v59, v23;
	v7 =	vld [tilespmem:$0x1FD10];
	[tilespmem:v51+s15+$0x0] =	vst.idx.msk $0xffff, v6  }
0x30f: {  	v8 =	vld [tilespmem:$0x1FD40]  }
0x310: {  	v3 =	vmul.f32 v3, v40;
	v2 =	vld.idx.msk [tilespmem:v56+s13+$0x0], $0xffff  }
0x311: {  	v59 =	vadd.s32 v21, v37;
	v5 =	vld.idx.msk [tilespmem:v58+s13+$0x0], $0xffff  }
0x312: {  	v29 =	vadd.s32 v42, v31;
	v28 =	vadd.s32 v21, v53;
	[tilespmem:v22+s15+$0x0] =	vst.idx.msk $0xffff, v3;
	v16 =	vld.idx.msk [tilespmem:v16+s13+$0x0], $0xffff  }
0x313: {  	v35 =	vadd.s32 v21, v36;
	v9 =	vsub.f32 v9, v11;
	v30 =	vld [tilespmem:$0x1FD70]  }
0x314: {  	v45 =	vmovc v44;
	v44 =	vmov v12;
	v36 =	vadd.s32 v21, v34;
	v22 =	vor.u32 v21, v62;
	v17 =	vld [tilespmem:$0x1FDB0]  }
0x315: {  	v10 =	vsub.f32 v10, v43;
	v9 =	vmul.f32 v9, v44;
	v42 =	vld [tilespmem:$0x1FAE0]  }
0x316: {  	v6 =	vld.idx.msk [tilespmem:v59+s13+$0x0], $0xffff  }
0x317: {  	v10 =	vmul.f32 v10, v49;
	[tilespmem:v29+s15+$0x0] =	vst.idx.msk $0xffff, v9;
	v3 =	vld.idx.msk [tilespmem:v28+s13+$0x0], $0xffff  }
0x318: {  	v49 =	vld.idx.msk [tilespmem:v35+s13+$0x0], $0xffff  }
0x319: {  	v52 =	vld.idx.msk [tilespmem:v36+s13+$0x0], $0xffff;
	[tilespmem:v22+s15+$0x0] =	vst.idx.msk $0xffff, v10  }
0x31a: {  	v9 =	vld [tilespmem:$0x1FAF0]  }
0x31b: {  	v54 =	vadd.s32 v21, v41;
	v37 =	vadd.s32 v21, v32;
	v7 =	vld.idx.msk [tilespmem:v7+s13+$0x0], $0xffff  }
0x31c: {  	v0 =	vsub.f32 v0, v4;
	v14 =	vsub.f32 v26, v14;
	v56 =	vor.u32 v21, v57;
	v8 =	vld.idx.msk [tilespmem:v8+s13+$0x0], $0xffff  }
0x31d: {  	v43 =	vor.u32 v21, v18;
	v51 =	vadd.s32 v21, v45;
	v2 =	vsub.f32 v2, v5;
	v15 =	vld.idx.msk [tilespmem:v30+s13+$0x0], $0xffff  }
0x31e: {  	v0 =	vmul.f32 v0, v46;
	v57 =	vadd.s32 v21, v39;
	v1 =	vsub.f32 v16, v1;
	v23 =	vld.idx.msk [tilespmem:v17+s13+$0x0], $0xffff  }
0x31f: {  	v4 =	vadd.s32 v21, v42;
	v3 =	vsub.f32 v6, v3;
	v59 =	vmul.f32 v2, v48  }
0x320: {  	v58 =	vadd.s32 v21, v31;
	[tilespmem:v37+s15+$0x0] =	vst.idx.msk $0xffff, v0;
	v50 =	vmul.f32 v1, v38  }
0x321: {  	v60 =	vsub.f32 v49, v52;
	v61 =	vmul.f32 v3, v40;
	[tilespmem:v56+s15+$0x0] =	vst.idx.msk $0xffff, v59  }
0x322: {  	[tilespmem:v43+s15+$0x0] =	vst.idx.msk $0xffff, v50;
	v9 =	vmul.f32 v14, v9;
	v53 =	vsub.f32 v7, v8  }
0x323: {  	v63 =	vmul.f32 v60, v44;
	[tilespmem:v57+s15+$0x0] =	vst.idx.msk $0xffff, v61;
	v55 =	vsub.f32 v15, v23  }
0x324: {  	[tilespmem:v4+s15+$0x0] =	vst.idx.msk $0xffff, v9;
	v4 =	vmul.f32 v53, v47  }
0x325: {  	s17 =	sadd.s32 $0x1, s17;
	[tilespmem:v58+s15+$0x0] =	vst.idx.msk $0xffff, v63;
	v0 =	vmul.f32 v55, v33  }
0x326: {  	p0 =	sne.s32 s17, s6;
	[tilespmem:v51+s15+$0x0] =	vst.idx.msk $0xffff, v4  }
.Ltmp2:
0x327: {  	[tilespmem:v54+s15+$0x0] =	vst.idx.msk $0xffff, v0;
	(pc) =	sbr.rel @p0 .LBB2_1-.Ltmp2, $4  }
0x328: {  	[hbm4b:s5+s8] =	stream.strided.scatter [tilespmem:s15], [sflag:$0x3], $0x1800, s9, s8, $0x38;
	[tilespmem:$0x19910] =	vst v63  }
0x329: {  	_ =	swait.ge [sflag:s16], $0x1800  }
0x32a: {  	[sflag:s16] =	ssyncset.done $0x0  }
0x32b: {  	v62 =	vlaneseq.u32;
	[sflag:s16] =	ssyncadd.s32 $0xFFFFE800  }
0x32c: {  	_ =	sfence.sel $0x180000  }
0x32d: {  	[bflag:$0x0] =	sbarrier.arrive $0xFFFF  }
0x32e: {  	p0 =	sne.s32 s0, $0x0;
	_ =	strace $0x90000047  }
0x32f: {  	s0 =	sadd.s32 @!p0 $0x100000, s1;
	[bflag:$0x2] =	sbarrier.arrive $0xFFFF  }
0x330: {  	[sflag:s0] =	ssyncadd.tile.s32 @!p0 $0x1;
	_ =	shalt  }
.Lfunc_end2:
_tile_overlayer_lowered:
.L_overlay_start_2:
0x331: {  	(tag) =	ssettag $0x2  }
0x332: {  	s0 =	rddreg [dreg:$0x0];
	s2 =	stileid.u32  }
0x333: {  	s1 =	rddreg [dreg:$0x1];
	p0 =	sne.s32 s2, $0x0  }
0x334: {  	s3 =	rddreg [dreg:$0x2];
	[bflag:$0x3] =	sbarrier.arrive $0xFFFF;
	s2 =	simm.s32 @!p0 $0x1C03  }
0x335: {  	[timem:s3], [sflag:s2] =	dma.local @!p0 [hbm:s0], s1  }
0x336: {  	s0 =	simm.s32 @!p0 $0x3  }
0x337: {  	_ =	swait.ge @!p0 [sflag:s0], s1  }
0x338: {  	s1 =	ssub.s32 @!p0 $0x0, s1;
	[sflag:s0] =	ssyncset.done @!p0 $0x0  }
0x339: {  	[sflag:s0] =	ssyncadd.s32 @!p0 s1  }
0x33a: {  	[bflag:$0x3] =	sbarrier.arrive $0xFFFF  }
0x33b: {  	_ =	shalt  }

</sc_bundles>
